<compile_context>
chip_gen: v7x
topology: tpu7x:2x2x1
jax: 0.10.2.dev20260603
libtpu: 0.0.44.dev20260713+nightly
codegen_flags: <defaults>
</compile_context>

<pallas_src>
import jax
import jax.numpy as jnp
from jax import lax
from jax.experimental import pallas as pl
from jax.experimental.pallas import tpu as pltpu
from jax.experimental.pallas import tpu_sc as plsc

N = 1024
E = 32768
NODE_EMB = 64
OUT = 8
HEADS = 4
N_NODE_TYPES = 3

A2_BLK = 1024
C_BLK = 64

SC_SUBCORES = 16
SC_CORES = 2
EDGES_PER_TILE = E // SC_SUBCORES
BLK_ROWS = 32
N_BLOCKS = N // BLK_ROWS
BLK_SLOTS = BLK_ROWS * N
ROWS_PER_TILE = BLK_SLOTS // SC_SUBCORES


def _a1_body(nf_ref, tid_ref, wnt_ref, wall_ref, tab_ref):
    nf = nf_ref[...]
    tid = tid_ref[...]
    ne = jnp.zeros((N, NODE_EMB), dtype=jnp.float32)
    for t in range(N_NODE_TYPES):
        emb_t = jnp.dot(nf, wnt_ref[t], preferred_element_type=jnp.float32)
        ne = jnp.where(tid == t, emb_t, ne)
    tab_ref[...] = jnp.dot(ne, wall_ref[...], preferred_element_type=jnp.float32)


def _leaky(x):
    return jnp.where(x >= 0, x, 0.2 * x)


def _a2_body(ea_ref, et_ref, wea_ref, wet_ref,
             waea_ref, waet_ref, wuea_ref, rec_ref):
    ea_emb = _leaky(jnp.dot(ea_ref[...], wea_ref[...],
                            preferred_element_type=jnp.float32))
    et_emb = _leaky(jnp.dot(et_ref[...], wet_ref[...],
                            preferred_element_type=jnp.float32))
    es = (jnp.dot(ea_emb, waea_ref[...], preferred_element_type=jnp.float32)
          + jnp.dot(et_emb, waet_ref[...], preferred_element_type=jnp.float32))
    mu = jnp.dot(ea_emb, wuea_ref[...], preferred_element_type=jnp.float32)
    rec_ref[...] = jnp.concatenate(
        [es, mu, jnp.zeros((A2_BLK, 4), jnp.float32)], axis=1)


def _b_body(ei_ref, rec_hbm, tab_hbm, out_ref,
            rec_v, zeros_v, src_v, dst_v, idx_v, tab_v, shared, sem):
    cid = lax.axis_index("c")
    sid = lax.axis_index("s")
    e0 = sid * EDGES_PER_TILE
    pltpu.sync_copy(rec_hbm.at[pl.ds(e0, EDGES_PER_TILE)], rec_v)
    pltpu.sync_copy(ei_ref.at[0, pl.ds(e0, EDGES_PER_TILE)], src_v)
    pltpu.sync_copy(ei_ref.at[1, pl.ds(e0, EDGES_PER_TILE)], dst_v)
    pltpu.sync_copy(tab_hbm, tab_v)
    junk = BLK_SLOTS + sid

    zk = jnp.zeros((16,), jnp.float32)

    def zero_row(r, carry0):
        zeros_v[r, pl.ds(0, 16)] = zk
        return carry0
    lax.fori_loop(0, ROWS_PER_TILE, zero_row, 0)

    lane = jax.lax.iota(jnp.int32, 16)

    def finish_chunk(c, carry0):
        rows = lane + c * 16
        s16 = src_v[pl.ds(c * 16, 16)]
        d16 = dst_v[pl.ds(c * 16, 16)]
        for ch in range(12):
            chv = jnp.full((16,), ch, jnp.int32)
            v = plsc.load_gather(rec_v, [rows, chv])
            v = v + plsc.load_gather(tab_v, [s16, chv])
            if ch < HEADS:
                v = v + plsc.load_gather(tab_v, [d16, chv + 12])
            v = jnp.where(v >= 0, v, 0.2 * v)
            plsc.store_scatter(rec_v, [rows, chv], v)
        return carry0
    lax.fori_loop(0, EDGES_PER_TILE // 16, finish_chunk, 0)

    def per_block(b, carry):
        gb = cid * (N_BLOCKS // SC_CORES) + b
        pltpu.sync_copy(zeros_v, shared.at[pl.ds(sid * ROWS_PER_TILE, ROWS_PER_TILE)])
        plsc.subcore_barrier()

        def per_chunk(c, carry2):
            s16 = src_v[pl.ds(c * 16, 16)]
            d16 = dst_v[pl.ds(c * 16, 16)]
            inb = (s16 >> 5) == gb
            local = ((s16 & (BLK_ROWS - 1)) << 10) | d16
            iv = jnp.where(inb, local, junk)
            idx_v[c >> 3, pl.ds((c & 7) * 16, 16)] = iv
            return carry2
        lax.fori_loop(0, EDGES_PER_TILE // 16, per_chunk, 0)

        descs = [pltpu.async_copy(rec_v.at[pl.ds(j * 128, 128)],
                                  shared.at[idx_v.at[j]], sem, add=True)
                 for j in range(EDGES_PER_TILE // 128)]
        for d in descs:
            d.wait()
        plsc.subcore_barrier()
        pltpu.sync_copy(
            shared.at[pl.ds(sid * ROWS_PER_TILE, ROWS_PER_TILE)],
            out_ref.at[pl.ds(gb * BLK_SLOTS + sid * ROWS_PER_TILE, ROWS_PER_TILE)])
        plsc.subcore_barrier()
        return carry

    lax.fori_loop(0, N_BLOCKS // SC_CORES, per_block, 0)


def _c_body(d_ref, o_ref):
    x = d_ref[...]
    xt = x.T
    y = xt.reshape(8, 16, C_BLK * N // 8)
    lanes = N // 8

    def plane(c):
        return y[:, c, :].reshape(8, C_BLK, lanes)

    s = jnp.stack([plane(h) for h in range(HEADS)], axis=0)
    sm = jnp.where(s == 0.0, -10000.0, s)
    mx = jnp.max(jnp.max(sm, axis=3), axis=1)
    e = jnp.exp(sm - mx[:, None, :, None])
    z = jnp.sum(jnp.sum(e, axis=3), axis=1)
    m = jnp.stack([plane(HEADS + o) for o in range(OUT)], axis=0)
    ucols = []
    for h in range(HEADS):
        for o in range(OUT):
            t = e[h] * m[o]
            ucols.append(jnp.sum(jnp.sum(t, axis=2), axis=0))
    u = jnp.stack(ucols, axis=1).reshape(C_BLK, HEADS, OUT)
    o_ref[...] = u / z.T[:, :, None]


def kernel(node_feats, edge_index, edge_attr, edge_type, node_type_ids,
           edge_type_ids, W_node_types, W_edge_attr, W_edge_type,
           W_node_update, W_att):
    f32 = jnp.float32
    wa_tar = W_att[0:NODE_EMB]
    wa_ea = W_att[NODE_EMB:NODE_EMB + 32]
    wa_et = W_att[NODE_EMB + 32:NODE_EMB + 64]
    wa_src = W_att[NODE_EMB + 64:]
    wu_src = W_node_update[:NODE_EMB]
    wu_ea = W_node_update[NODE_EMB:]
    w_all = jnp.concatenate([wa_src, wu_src, wa_tar], axis=1)

    tab = pl.pallas_call(
        _a1_body,
        out_shape=jax.ShapeDtypeStruct((N, 16), f32),
    )(node_feats, node_type_ids.reshape(N, 1), W_node_types, w_all)

    n_blk = E // A2_BLK
    records = pl.pallas_call(
        _a2_body,
        grid=(n_blk,),
        in_specs=[
            pl.BlockSpec((A2_BLK, 16), lambda i: (i, 0)),
            pl.BlockSpec((A2_BLK, 8), lambda i: (i, 0)),
            pl.BlockSpec((16, 32), lambda i: (0, 0)),
            pl.BlockSpec((8, 32), lambda i: (0, 0)),
            pl.BlockSpec((32, 4), lambda i: (0, 0)),
            pl.BlockSpec((32, 4), lambda i: (0, 0)),
            pl.BlockSpec((32, 8), lambda i: (0, 0)),
        ],
        out_specs=pl.BlockSpec((A2_BLK, 16), lambda i: (i, 0)),
        out_shape=jax.ShapeDtypeStruct((E, 16), f32),
    )(edge_attr, edge_type, W_edge_attr, W_edge_type, wa_ea, wa_et, wu_ea)

    mesh = plsc.VectorSubcoreMesh(core_axis_name="c", subcore_axis_name="s")
    dense = pl.kernel(
        _b_body,
        out_type=jax.ShapeDtypeStruct((N * N, 16), f32),
        mesh=mesh,
        compiler_params=pltpu.CompilerParams(use_tc_tiling_on_sc=False,
                                             needs_layout_passes=False),
        scratch_types=[
            pltpu.VMEM((EDGES_PER_TILE, 16), f32),
            pltpu.VMEM((ROWS_PER_TILE, 16), f32),
            pltpu.VMEM((EDGES_PER_TILE,), jnp.int32),
            pltpu.VMEM((EDGES_PER_TILE,), jnp.int32),
            pltpu.VMEM((EDGES_PER_TILE // 128, 128), jnp.int32),
            pltpu.VMEM((N, 16), f32),
            pltpu.VMEM_SHARED((BLK_SLOTS + SC_SUBCORES, 16), f32),
            pltpu.SemaphoreType.DMA,
        ],
    )(edge_index, records, tab)

    out = pl.pallas_call(
        _c_body,
        grid=(N // C_BLK,),
        in_specs=[pl.BlockSpec((C_BLK * N // 8, 128), lambda i: (i, 0))],
        out_specs=pl.BlockSpec((C_BLK, HEADS, OUT), lambda i: (i, 0, 0)),
        out_shape=jax.ShapeDtypeStruct((N, HEADS, OUT), f32),
    )(dense.reshape(N * N // 8, 128))
    return out.reshape(N, HEADS * OUT)

# --- scband reference (transcript-rebuilt; emitter-appended) ---
"""Pipeline reference for scband-heatconv-52604759441969 (READ-ONLY COPY).

The authoritative reference and input builder live on the scoring server;
editing this copy changes nothing except your own understanding.
"""

import jax, jax.numpy as jnp
import numpy as np

N = 1024
E = 32768
IN_NODE = 128
IN_EA = 16
IN_ET = 8
EA_EMB = 32
ET_EMB = 32
NODE_EMB = 64
OUT = 8
HEADS = 4
N_NODE_TYPES = 3


def leaky_relu(x):
    return jnp.where(x >= 0, x, 0.2 * x)


def setup_inputs(seed: int = 0) -> dict:
    key = jax.random.key(seed)
    ks = jax.random.split(key, 12)
    node_feats = jax.random.normal(ks[0], (N, IN_NODE), dtype=jnp.float32)
    edge_index = jax.random.randint(ks[1], (2, E), 0, N, dtype=jnp.int32)
    edge_attr = jax.random.normal(ks[2], (E, IN_EA), dtype=jnp.float32)
    edge_type = jax.random.normal(ks[3], (E, IN_ET), dtype=jnp.float32)
    node_type_ids = jax.random.randint(ks[4], (N,), 0, N_NODE_TYPES, dtype=jnp.int32)
    edge_type_ids = jax.random.randint(ks[5], (E,), 0, 4, dtype=jnp.int32)
    # learned parameters (nn.Linear weights, stored as [in, out]; x @ W == Linear(x))
    W_node_types = jax.random.normal(ks[6], (N_NODE_TYPES, IN_NODE, NODE_EMB), dtype=jnp.float32) * 0.05
    W_edge_attr = jax.random.normal(ks[7], (IN_EA, EA_EMB), dtype=jnp.float32) * 0.05
    W_edge_type = jax.random.normal(ks[8], (IN_ET, ET_EMB), dtype=jnp.float32) * 0.05
    W_node_update = jax.random.normal(ks[9], (EA_EMB + NODE_EMB, OUT), dtype=jnp.float32) * 0.05
    W_att = jax.random.normal(ks[10], (EA_EMB + ET_EMB + 2 * NODE_EMB, HEADS), dtype=jnp.float32) * 0.05
    return {
        "node_feats": node_feats,
        "edge_index": edge_index,
        "edge_attr": edge_attr,
        "edge_type": edge_type,
        "node_type_ids": node_type_ids,
        "edge_type_ids": edge_type_ids,
        "W_node_types": W_node_types,
        "W_edge_attr": W_edge_attr,
        "W_edge_type": W_edge_type,
        "W_node_update": W_node_update,
        "W_att": W_att,
    }


def reference(node_feats, edge_index, edge_attr, edge_type, node_type_ids,
              edge_type_ids, W_node_types, W_edge_attr, W_edge_type,
              W_node_update, W_att):
    n = node_feats.shape[0]
    # embed_nodes: type-specific linear transform selected by node type mask
    node_emb = jnp.zeros((n, NODE_EMB), dtype=node_feats.dtype)
    for t in range(N_NODE_TYPES):
        mask = (node_type_ids == t)
        node_emb = jnp.where(mask[:, None], node_feats @ W_node_types[t], node_emb)
    # embed_edges
    edge_attr_emb = leaky_relu(edge_attr @ W_edge_attr)
    edge_type_emb = leaky_relu(edge_type @ W_edge_type)
    emb_edge_feat = jnp.concatenate((edge_attr_emb, edge_type_emb), axis=1)
    src_node_emb = node_emb[edge_index[0]]
    tar_node_emb = node_emb[edge_index[1]]
    src_node_n_edge_feat = jnp.concatenate((emb_edge_feat, src_node_emb), axis=1)
    tar_src_node_n_edge_feat = jnp.concatenate((tar_node_emb, src_node_n_edge_feat), axis=1)
    scores = leaky_relu(tar_src_node_n_edge_feat @ W_att)  # [E, heads]
    # dense scatter of per-edge scores (sparse_coo.to_dense sums duplicate indices)
    scores_matrix = jnp.zeros((n, n, HEADS), dtype=scores.dtype).at[edge_index[0], edge_index[1]].add(scores)
    scores_matrix = jnp.where(scores_matrix == 0.0, jnp.full_like(scores_matrix, -10000.0), scores_matrix)
    attention_matrix = jax.nn.softmax(scores_matrix, axis=1)  # [N, N, heads]
    src_n_edge_attr = leaky_relu(jnp.concatenate((src_node_emb, edge_attr_emb), axis=1) @ W_node_update)  # [E, out]
    src_n_edge_attr_matrix = jnp.zeros((n, n, OUT), dtype=src_n_edge_attr.dtype).at[edge_index[0], edge_index[1]].add(src_n_edge_attr)
    # broadcast-multiply (equivalent to the unsqueeze+repeat in torch) and reduce over source dim
    next_node_feat = jnp.sum(attention_matrix[:, :, :, None] * src_n_edge_attr_matrix[:, :, None, :], axis=1)  # [N, heads, out]
    # concat=True -> flatten heads
    next_node_feat = next_node_feat.reshape(n, HEADS * OUT)
    return next_node_feat

if __name__ == "__main__":
    import jax
    _d = setup_inputs()
    print(jax.jit(kernel)(*tuple(_d.values())))

</pallas_src>

<mosaic_0001>
#map = affine_map<(d0, d1) -> (0, 0)>
module attributes {stable_mosaic.version = 14 : i64} {
  func.func @_b_body(%arg0: i32, %arg1: i32, %arg2: memref<2x32768xi32, #tpu.memory_space<hbm>>, %arg3: memref<32768x16xf32, #tpu.memory_space<hbm>>, %arg4: memref<1024x16xf32, #tpu.memory_space<hbm>>, %arg5: memref<1048576x16xf32, #tpu.memory_space<hbm>>, %arg6: memref<2048x16xf32, #tpu.memory_space<vmem>>, %arg7: memref<2048x16xf32, #tpu.memory_space<vmem>>, %arg8: memref<2048xi32, #tpu.memory_space<vmem>>, %arg9: memref<2048xi32, #tpu.memory_space<vmem>>, %arg10: memref<16x128xi32, #tpu.memory_space<vmem>>, %arg11: memref<1024x16xf32, #tpu.memory_space<vmem>>, %arg12: memref<32784x16xf32, #tpu.memory_space<vmem_shared>>, %arg13: memref<!tpu.dma_semaphore, #tpu.memory_space<semaphore_mem>>) attributes {dimension_semantics = [#tpu.dimension_semantics<core_parallel>, #tpu.dimension_semantics<subcore_parallel>], iteration_bounds = array<i64: 2, 16>, scalar_prefetch = 0 : i64, scratch_operands = 8 : i64, tpu.core_type = #tpu.core_type<sc_vector_subcore>, window_params = [{transform_indices = #map}, {transform_indices = #map}, {transform_indices = #map}, {transform_indices = #map}]} {
    %mul3A = arith.constant 2048 : i32
    %mul3A_0 = arith.muli %arg1, %mul3A : i32
    "tpu.region"() ({
      %run_scoped3A_21 = tpu.sem_alloc : memref<!tpu.dma_semaphore, #tpu.memory_space<semaphore_mem>>
      %dma_start3A = arith.constant 0 : i32
      %dma_start3A_22 = tpu.memref_slice %arg3[%mul3A_0, %dma_start3A] : memref<32768x16xf32, #tpu.memory_space<hbm>> -> memref<2048x16xf32, #tpu.memory_space<hbm>>
      %dma_start3A_23 = arith.constant 0 : i32
      %dma_start3A_24 = tpu.memref_slice %arg3[%mul3A_0, %dma_start3A_23] : memref<32768x16xf32, #tpu.memory_space<hbm>> -> memref<2048x16xf32, #tpu.memory_space<hbm>>
      tpu.enqueue_dma source(%dma_start3A_24 : memref<2048x16xf32, #tpu.memory_space<hbm>>) target(%arg6 : memref<2048x16xf32, #tpu.memory_space<vmem>>) target_semaphore(%run_scoped3A_21 : memref<!tpu.dma_semaphore, #tpu.memory_space<semaphore_mem>>)
      %dma_wait3A = arith.constant 0 : i32
      %dma_wait3A_25 = tpu.memref_slice %arg3[%mul3A_0, %dma_wait3A] : memref<32768x16xf32, #tpu.memory_space<hbm>> -> memref<2048x16xf32, #tpu.memory_space<hbm>>
      %dma_wait3A_26 = arith.constant 0 : i32
      %dma_wait3A_27 = tpu.memref_slice %arg3[%mul3A_0, %dma_wait3A_26] : memref<32768x16xf32, #tpu.memory_space<hbm>> -> memref<2048x16xf32, #tpu.memory_space<hbm>>
      tpu.wait_dma2 semaphore(%run_scoped3A_21 : memref<!tpu.dma_semaphore, #tpu.memory_space<semaphore_mem>>) src(%dma_wait3A_27 : memref<2048x16xf32, #tpu.memory_space<hbm>>) dst(%arg6 : memref<2048x16xf32, #tpu.memory_space<vmem>>)
      tpu.yield
    }) : () -> ()
    %run_scoped3A = arith.constant 0 : i32
    "tpu.region"() ({
      %run_scoped3A_21 = tpu.sem_alloc : memref<!tpu.dma_semaphore, #tpu.memory_space<semaphore_mem>>
      %dma_start3A = tpu.memref_slice %arg2[%run_scoped3A, %mul3A_0] : memref<2x32768xi32, #tpu.memory_space<hbm>> -> memref<1x2048xi32, #tpu.memory_space<hbm>>
      %dma_start3A_22 = tpu.memref_squeeze %dma_start3A : memref<1x2048xi32, #tpu.memory_space<hbm>> -> memref<2048xi32, #tpu.memory_space<hbm>>
      %dma_start3A_23 = tpu.memref_slice %arg2[%run_scoped3A, %mul3A_0] : memref<2x32768xi32, #tpu.memory_space<hbm>> -> memref<1x2048xi32, #tpu.memory_space<hbm>>
      %dma_start3A_24 = tpu.memref_squeeze %dma_start3A_23 : memref<1x2048xi32, #tpu.memory_space<hbm>> -> memref<2048xi32, #tpu.memory_space<hbm>>
      tpu.enqueue_dma source(%dma_start3A_24 : memref<2048xi32, #tpu.memory_space<hbm>>) target(%arg8 : memref<2048xi32, #tpu.memory_space<vmem>>) target_semaphore(%run_scoped3A_21 : memref<!tpu.dma_semaphore, #tpu.memory_space<semaphore_mem>>)
      %dma_wait3A = tpu.memref_slice %arg2[%run_scoped3A, %mul3A_0] : memref<2x32768xi32, #tpu.memory_space<hbm>> -> memref<1x2048xi32, #tpu.memory_space<hbm>>
      %dma_wait3A_25 = tpu.memref_squeeze %dma_wait3A : memref<1x2048xi32, #tpu.memory_space<hbm>> -> memref<2048xi32, #tpu.memory_space<hbm>>
      %dma_wait3A_26 = tpu.memref_slice %arg2[%run_scoped3A, %mul3A_0] : memref<2x32768xi32, #tpu.memory_space<hbm>> -> memref<1x2048xi32, #tpu.memory_space<hbm>>
      %dma_wait3A_27 = tpu.memref_squeeze %dma_wait3A_26 : memref<1x2048xi32, #tpu.memory_space<hbm>> -> memref<2048xi32, #tpu.memory_space<hbm>>
      tpu.wait_dma2 semaphore(%run_scoped3A_21 : memref<!tpu.dma_semaphore, #tpu.memory_space<semaphore_mem>>) src(%dma_wait3A_27 : memref<2048xi32, #tpu.memory_space<hbm>>) dst(%arg8 : memref<2048xi32, #tpu.memory_space<vmem>>)
      tpu.yield
    }) : () -> ()
    %run_scoped3A_1 = arith.constant 1 : i32
    "tpu.region"() ({
      %run_scoped3A_21 = tpu.sem_alloc : memref<!tpu.dma_semaphore, #tpu.memory_space<semaphore_mem>>
      %dma_start3A = tpu.memref_slice %arg2[%run_scoped3A_1, %mul3A_0] : memref<2x32768xi32, #tpu.memory_space<hbm>> -> memref<1x2048xi32, #tpu.memory_space<hbm>>
      %dma_start3A_22 = tpu.memref_squeeze %dma_start3A : memref<1x2048xi32, #tpu.memory_space<hbm>> -> memref<2048xi32, #tpu.memory_space<hbm>>
      %dma_start3A_23 = tpu.memref_slice %arg2[%run_scoped3A_1, %mul3A_0] : memref<2x32768xi32, #tpu.memory_space<hbm>> -> memref<1x2048xi32, #tpu.memory_space<hbm>>
      %dma_start3A_24 = tpu.memref_squeeze %dma_start3A_23 : memref<1x2048xi32, #tpu.memory_space<hbm>> -> memref<2048xi32, #tpu.memory_space<hbm>>
      tpu.enqueue_dma source(%dma_start3A_24 : memref<2048xi32, #tpu.memory_space<hbm>>) target(%arg9 : memref<2048xi32, #tpu.memory_space<vmem>>) target_semaphore(%run_scoped3A_21 : memref<!tpu.dma_semaphore, #tpu.memory_space<semaphore_mem>>)
      %dma_wait3A = tpu.memref_slice %arg2[%run_scoped3A_1, %mul3A_0] : memref<2x32768xi32, #tpu.memory_space<hbm>> -> memref<1x2048xi32, #tpu.memory_space<hbm>>
      %dma_wait3A_25 = tpu.memref_squeeze %dma_wait3A : memref<1x2048xi32, #tpu.memory_space<hbm>> -> memref<2048xi32, #tpu.memory_space<hbm>>
      %dma_wait3A_26 = tpu.memref_slice %arg2[%run_scoped3A_1, %mul3A_0] : memref<2x32768xi32, #tpu.memory_space<hbm>> -> memref<1x2048xi32, #tpu.memory_space<hbm>>
      %dma_wait3A_27 = tpu.memref_squeeze %dma_wait3A_26 : memref<1x2048xi32, #tpu.memory_space<hbm>> -> memref<2048xi32, #tpu.memory_space<hbm>>
      tpu.wait_dma2 semaphore(%run_scoped3A_21 : memref<!tpu.dma_semaphore, #tpu.memory_space<semaphore_mem>>) src(%dma_wait3A_27 : memref<2048xi32, #tpu.memory_space<hbm>>) dst(%arg9 : memref<2048xi32, #tpu.memory_space<vmem>>)
      tpu.yield
    }) : () -> ()
    "tpu.region"() ({
      %run_scoped3A_21 = tpu.sem_alloc : memref<!tpu.dma_semaphore, #tpu.memory_space<semaphore_mem>>
      tpu.enqueue_dma source(%arg4 : memref<1024x16xf32, #tpu.memory_space<hbm>>) target(%arg11 : memref<1024x16xf32, #tpu.memory_space<vmem>>) target_semaphore(%run_scoped3A_21 : memref<!tpu.dma_semaphore, #tpu.memory_space<semaphore_mem>>)
      tpu.wait_dma2 semaphore(%run_scoped3A_21 : memref<!tpu.dma_semaphore, #tpu.memory_space<semaphore_mem>>) src(%arg4 : memref<1024x16xf32, #tpu.memory_space<hbm>>) dst(%arg11 : memref<1024x16xf32, #tpu.memory_space<vmem>>)
      tpu.yield
    }) : () -> ()
    %add3A = arith.constant 32768 : i32
    %add3A_2 = arith.addi %add3A, %arg1 : i32
    %broadcast_in_dim3A = arith.constant 0.000000e+00 : f32
    %broadcast_in_dim3A_3 = vector.broadcast %broadcast_in_dim3A : f32 to vector<16xf32>
    %scan3A = arith.constant 0 : i32
    %scan3A_4 = arith.constant 0 : i32
    %scan3A_5 = arith.constant 2048 : i32
    %scan3A_6 = arith.addi %scan3A_4, %scan3A_5 : i32
    %scan3A_7 = arith.constant 1 : i32
    scf.for %scan3A_21 = %scan3A_4 to %scan3A_6 step %scan3A_7  : i32 {
      %swap3A = arith.index_cast %scan3A_21 : i32 to index
      %swap3A_22 = arith.constant 0 : index
      %swap3A_23 = tpu.vector_load %arg7[%swap3A, %swap3A_22] {strides = array<i32>} : memref<2048x16xf32, #tpu.memory_space<vmem>>, vector<16xf32>,
      tpu.vector_store %arg7[%swap3A, %swap3A_22], %broadcast_in_dim3A_3 {strides = array<i32>} : memref<2048x16xf32, #tpu.memory_space<vmem>>, vector<16xf32>,
    }
    %scan3A_8 = arith.constant 2048 : i32
    %iota3A = tpu.iota {dimensions = array<i32: 0>} : vector<16xi32>
    %scan3A_9 = arith.constant 0 : i32
    %scan3A_10 = arith.constant 0 : i32
    %scan3A_11 = arith.constant 128 : i32
    %scan3A_12 = arith.addi %scan3A_10, %scan3A_11 : i32
    %scan3A_13 = arith.constant 1 : i32
    scf.for %scan3A_21 = %scan3A_10 to %scan3A_12 step %scan3A_13  : i32 {
      %mul3A_22 = arith.constant 16 : i32
      %mul3A_23 = arith.muli %scan3A_21, %mul3A_22 : i32
      %add3A_24 = vector.broadcast %mul3A_23 : i32 to vector<16xi32>
      %add3A_25 = arith.addi %iota3A, %add3A_24 : vector<16xi32>
      %mul3A_26 = arith.constant 16 : i32
      %mul3A_27 = arith.muli %scan3A_21, %mul3A_26 : i32
      %get3A = arith.index_cast %mul3A_27 : i32 to index
      %get3A_28 = tpu.vector_load %arg8[%get3A] {strides = array<i32>} : memref<2048xi32, #tpu.memory_space<vmem>>, vector<16xi32>,
      %mul3A_29 = arith.constant 16 : i32
      %mul3A_30 = arith.muli %scan3A_21, %mul3A_29 : i32
      %get3A_31 = arith.index_cast %mul3A_30 : i32 to index
      %get3A_32 = tpu.vector_load %arg9[%get3A_31] {strides = array<i32>} : memref<2048xi32, #tpu.memory_space<vmem>>, vector<16xi32>,
      %broadcast_in_dim3A_33 = arith.constant 0 : i32
      %broadcast_in_dim3A_34 = vector.broadcast %broadcast_in_dim3A_33 : i32 to vector<16xi32>
      %gather3A = tpu.vector_load_idx %arg6[%add3A_25, %broadcast_in_dim3A_34] : memref<2048x16xf32, #tpu.memory_space<vmem>>[vector<16xi32>, vector<16xi32>], vector<16xf32>,
      %gather3A_35 = tpu.vector_load_idx %arg11[%get3A_28, %broadcast_in_dim3A_34] : memref<1024x16xf32, #tpu.memory_space<vmem>>[vector<16xi32>, vector<16xi32>], vector<16xf32>,
      %add3A_36 = arith.addf %gather3A, %gather3A_35 : vector<16xf32>
      %add3A_37 = arith.constant 12 : i32
      %add3A_38 = vector.broadcast %add3A_37 : i32 to vector<16xi32>
      %add3A_39 = arith.addi %broadcast_in_dim3A_34, %add3A_38 : vector<16xi32>
      %gather3A_40 = tpu.vector_load_idx %arg11[%get3A_32, %add3A_39] : memref<1024x16xf32, #tpu.memory_space<vmem>>[vector<16xi32>, vector<16xi32>], vector<16xf32>,
      %add3A_41 = arith.addf %add3A_36, %gather3A_40 : vector<16xf32>
      %ge3A = arith.constant 0.000000e+00 : f32
      %ge3A_42 = vector.broadcast %ge3A : f32 to vector<16xf32>
      %ge3A_43 = arith.cmpf oge, %add3A_41, %ge3A_42 : vector<16xf32>
      %mul3A_44 = arith.constant 2.000000e-01 : f32
      %mul3A_45 = vector.broadcast %mul3A_44 : f32 to vector<16xf32>
      %mul3A_46 = arith.mulf %mul3A_45, %add3A_41 : vector<16xf32>
      %select_n3A = arith.select %ge3A_43, %add3A_41, %mul3A_46 : vector<16xi1>, vector<16xf32>
      tpu.vector_store_idx %arg6[%add3A_25, %broadcast_in_dim3A_34], %select_n3A : memref<2048x16xf32, #tpu.memory_space<vmem>>[vector<16xi32>, vector<16xi32>], vector<16xf32>,
      %broadcast_in_dim3A_47 = arith.constant 1 : i32
      %broadcast_in_dim3A_48 = vector.broadcast %broadcast_in_dim3A_47 : i32 to vector<16xi32>
      %gather3A_49 = tpu.vector_load_idx %arg6[%add3A_25, %broadcast_in_dim3A_48] : memref<2048x16xf32, #tpu.memory_space<vmem>>[vector<16xi32>, vector<16xi32>], vector<16xf32>,
      %gather3A_50 = tpu.vector_load_idx %arg11[%get3A_28, %broadcast_in_dim3A_48] : memref<1024x16xf32, #tpu.memory_space<vmem>>[vector<16xi32>, vector<16xi32>], vector<16xf32>,
      %add3A_51 = arith.addf %gather3A_49, %gather3A_50 : vector<16xf32>
      %add3A_52 = arith.constant 12 : i32
      %add3A_53 = vector.broadcast %add3A_52 : i32 to vector<16xi32>
      %add3A_54 = arith.addi %broadcast_in_dim3A_48, %add3A_53 : vector<16xi32>
      %gather3A_55 = tpu.vector_load_idx %arg11[%get3A_32, %add3A_54] : memref<1024x16xf32, #tpu.memory_space<vmem>>[vector<16xi32>, vector<16xi32>], vector<16xf32>,
      %add3A_56 = arith.addf %add3A_51, %gather3A_55 : vector<16xf32>
      %ge3A_57 = arith.constant 0.000000e+00 : f32
      %ge3A_58 = vector.broadcast %ge3A_57 : f32 to vector<16xf32>
      %ge3A_59 = arith.cmpf oge, %add3A_56, %ge3A_58 : vector<16xf32>
      %mul3A_60 = arith.constant 2.000000e-01 : f32
      %mul3A_61 = vector.broadcast %mul3A_60 : f32 to vector<16xf32>
      %mul3A_62 = arith.mulf %mul3A_61, %add3A_56 : vector<16xf32>
      %select_n3A_63 = arith.select %ge3A_59, %add3A_56, %mul3A_62 : vector<16xi1>, vector<16xf32>
      tpu.vector_store_idx %arg6[%add3A_25, %broadcast_in_dim3A_48], %select_n3A_63 : memref<2048x16xf32, #tpu.memory_space<vmem>>[vector<16xi32>, vector<16xi32>], vector<16xf32>,
      %broadcast_in_dim3A_64 = arith.constant 2 : i32
      %broadcast_in_dim3A_65 = vector.broadcast %broadcast_in_dim3A_64 : i32 to vector<16xi32>
      %gather3A_66 = tpu.vector_load_idx %arg6[%add3A_25, %broadcast_in_dim3A_65] : memref<2048x16xf32, #tpu.memory_space<vmem>>[vector<16xi32>, vector<16xi32>], vector<16xf32>,
      %gather3A_67 = tpu.vector_load_idx %arg11[%get3A_28, %broadcast_in_dim3A_65] : memref<1024x16xf32, #tpu.memory_space<vmem>>[vector<16xi32>, vector<16xi32>], vector<16xf32>,
      %add3A_68 = arith.addf %gather3A_66, %gather3A_67 : vector<16xf32>
      %add3A_69 = arith.constant 12 : i32
      %add3A_70 = vector.broadcast %add3A_69 : i32 to vector<16xi32>
      %add3A_71 = arith.addi %broadcast_in_dim3A_65, %add3A_70 : vector<16xi32>
      %gather3A_72 = tpu.vector_load_idx %arg11[%get3A_32, %add3A_71] : memref<1024x16xf32, #tpu.memory_space<vmem>>[vector<16xi32>, vector<16xi32>], vector<16xf32>,
      %add3A_73 = arith.addf %add3A_68, %gather3A_72 : vector<16xf32>
      %ge3A_74 = arith.constant 0.000000e+00 : f32
      %ge3A_75 = vector.broadcast %ge3A_74 : f32 to vector<16xf32>
      %ge3A_76 = arith.cmpf oge, %add3A_73, %ge3A_75 : vector<16xf32>
      %mul3A_77 = arith.constant 2.000000e-01 : f32
      %mul3A_78 = vector.broadcast %mul3A_77 : f32 to vector<16xf32>
      %mul3A_79 = arith.mulf %mul3A_78, %add3A_73 : vector<16xf32>
      %select_n3A_80 = arith.select %ge3A_76, %add3A_73, %mul3A_79 : vector<16xi1>, vector<16xf32>
      tpu.vector_store_idx %arg6[%add3A_25, %broadcast_in_dim3A_65], %select_n3A_80 : memref<2048x16xf32, #tpu.memory_space<vmem>>[vector<16xi32>, vector<16xi32>], vector<16xf32>,
      %broadcast_in_dim3A_81 = arith.constant 3 : i32
      %broadcast_in_dim3A_82 = vector.broadcast %broadcast_in_dim3A_81 : i32 to vector<16xi32>
      %gather3A_83 = tpu.vector_load_idx %arg6[%add3A_25, %broadcast_in_dim3A_82] : memref<2048x16xf32, #tpu.memory_space<vmem>>[vector<16xi32>, vector<16xi32>], vector<16xf32>,
      %gather3A_84 = tpu.vector_load_idx %arg11[%get3A_28, %broadcast_in_dim3A_82] : memref<1024x16xf32, #tpu.memory_space<vmem>>[vector<16xi32>, vector<16xi32>], vector<16xf32>,
      %add3A_85 = arith.addf %gather3A_83, %gather3A_84 : vector<16xf32>
      %add3A_86 = arith.constant 12 : i32
      %add3A_87 = vector.broadcast %add3A_86 : i32 to vector<16xi32>
      %add3A_88 = arith.addi %broadcast_in_dim3A_82, %add3A_87 : vector<16xi32>
      %gather3A_89 = tpu.vector_load_idx %arg11[%get3A_32, %add3A_88] : memref<1024x16xf32, #tpu.memory_space<vmem>>[vector<16xi32>, vector<16xi32>], vector<16xf32>,
      %add3A_90 = arith.addf %add3A_85, %gather3A_89 : vector<16xf32>
      %ge3A_91 = arith.constant 0.000000e+00 : f32
      %ge3A_92 = vector.broadcast %ge3A_91 : f32 to vector<16xf32>
      %ge3A_93 = arith.cmpf oge, %add3A_90, %ge3A_92 : vector<16xf32>
      %mul3A_94 = arith.constant 2.000000e-01 : f32
      %mul3A_95 = vector.broadcast %mul3A_94 : f32 to vector<16xf32>
      %mul3A_96 = arith.mulf %mul3A_95, %add3A_90 : vector<16xf32>
      %select_n3A_97 = arith.select %ge3A_93, %add3A_90, %mul3A_96 : vector<16xi1>, vector<16xf32>
      tpu.vector_store_idx %arg6[%add3A_25, %broadcast_in_dim3A_82], %select_n3A_97 : memref<2048x16xf32, #tpu.memory_space<vmem>>[vector<16xi32>, vector<16xi32>], vector<16xf32>,
      %broadcast_in_dim3A_98 = arith.constant 4 : i32
      %broadcast_in_dim3A_99 = vector.broadcast %broadcast_in_dim3A_98 : i32 to vector<16xi32>
      %gather3A_100 = tpu.vector_load_idx %arg6[%add3A_25, %broadcast_in_dim3A_99] : memref<2048x16xf32, #tpu.memory_space<vmem>>[vector<16xi32>, vector<16xi32>], vector<16xf32>,
      %gather3A_101 = tpu.vector_load_idx %arg11[%get3A_28, %broadcast_in_dim3A_99] : memref<1024x16xf32, #tpu.memory_space<vmem>>[vector<16xi32>, vector<16xi32>], vector<16xf32>,
      %add3A_102 = arith.addf %gather3A_100, %gather3A_101 : vector<16xf32>
      %ge3A_103 = arith.constant 0.000000e+00 : f32
      %ge3A_104 = vector.broadcast %ge3A_103 : f32 to vector<16xf32>
      %ge3A_105 = arith.cmpf oge, %add3A_102, %ge3A_104 : vector<16xf32>
      %mul3A_106 = arith.constant 2.000000e-01 : f32
      %mul3A_107 = vector.broadcast %mul3A_106 : f32 to vector<16xf32>
      %mul3A_108 = arith.mulf %mul3A_107, %add3A_102 : vector<16xf32>
      %select_n3A_109 = arith.select %ge3A_105, %add3A_102, %mul3A_108 : vector<16xi1>, vector<16xf32>
      tpu.vector_store_idx %arg6[%add3A_25, %broadcast_in_dim3A_99], %select_n3A_109 : memref<2048x16xf32, #tpu.memory_space<vmem>>[vector<16xi32>, vector<16xi32>], vector<16xf32>,
      %broadcast_in_dim3A_110 = arith.constant 5 : i32
      %broadcast_in_dim3A_111 = vector.broadcast %broadcast_in_dim3A_110 : i32 to vector<16xi32>
      %gather3A_112 = tpu.vector_load_idx %arg6[%add3A_25, %broadcast_in_dim3A_111] : memref<2048x16xf32, #tpu.memory_space<vmem>>[vector<16xi32>, vector<16xi32>], vector<16xf32>,
      %gather3A_113 = tpu.vector_load_idx %arg11[%get3A_28, %broadcast_in_dim3A_111] : memref<1024x16xf32, #tpu.memory_space<vmem>>[vector<16xi32>, vector<16xi32>], vector<16xf32>,
      %add3A_114 = arith.addf %gather3A_112, %gather3A_113 : vector<16xf32>
      %ge3A_115 = arith.constant 0.000000e+00 : f32
      %ge3A_116 = vector.broadcast %ge3A_115 : f32 to vector<16xf32>
      %ge3A_117 = arith.cmpf oge, %add3A_114, %ge3A_116 : vector<16xf32>
      %mul3A_118 = arith.constant 2.000000e-01 : f32
      %mul3A_119 = vector.broadcast %mul3A_118 : f32 to vector<16xf32>
      %mul3A_120 = arith.mulf %mul3A_119, %add3A_114 : vector<16xf32>
      %select_n3A_121 = arith.select %ge3A_117, %add3A_114, %mul3A_120 : vector<16xi1>, vector<16xf32>
      tpu.vector_store_idx %arg6[%add3A_25, %broadcast_in_dim3A_111], %select_n3A_121 : memref<2048x16xf32, #tpu.memory_space<vmem>>[vector<16xi32>, vector<16xi32>], vector<16xf32>,
      %broadcast_in_dim3A_122 = arith.constant 6 : i32
      %broadcast_in_dim3A_123 = vector.broadcast %broadcast_in_dim3A_122 : i32 to vector<16xi32>
      %gather3A_124 = tpu.vector_load_idx %arg6[%add3A_25, %broadcast_in_dim3A_123] : memref<2048x16xf32, #tpu.memory_space<vmem>>[vector<16xi32>, vector<16xi32>], vector<16xf32>,
      %gather3A_125 = tpu.vector_load_idx %arg11[%get3A_28, %broadcast_in_dim3A_123] : memref<1024x16xf32, #tpu.memory_space<vmem>>[vector<16xi32>, vector<16xi32>], vector<16xf32>,
      %add3A_126 = arith.addf %gather3A_124, %gather3A_125 : vector<16xf32>
      %ge3A_127 = arith.constant 0.000000e+00 : f32
      %ge3A_128 = vector.broadcast %ge3A_127 : f32 to vector<16xf32>
      %ge3A_129 = arith.cmpf oge, %add3A_126, %ge3A_128 : vector<16xf32>
      %mul3A_130 = arith.constant 2.000000e-01 : f32
      %mul3A_131 = vector.broadcast %mul3A_130 : f32 to vector<16xf32>
      %mul3A_132 = arith.mulf %mul3A_131, %add3A_126 : vector<16xf32>
      %select_n3A_133 = arith.select %ge3A_129, %add3A_126, %mul3A_132 : vector<16xi1>, vector<16xf32>
      tpu.vector_store_idx %arg6[%add3A_25, %broadcast_in_dim3A_123], %select_n3A_133 : memref<2048x16xf32, #tpu.memory_space<vmem>>[vector<16xi32>, vector<16xi32>], vector<16xf32>,
      %broadcast_in_dim3A_134 = arith.constant 7 : i32
      %broadcast_in_dim3A_135 = vector.broadcast %broadcast_in_dim3A_134 : i32 to vector<16xi32>
      %gather3A_136 = tpu.vector_load_idx %arg6[%add3A_25, %broadcast_in_dim3A_135] : memref<2048x16xf32, #tpu.memory_space<vmem>>[vector<16xi32>, vector<16xi32>], vector<16xf32>,
      %gather3A_137 = tpu.vector_load_idx %arg11[%get3A_28, %broadcast_in_dim3A_135] : memref<1024x16xf32, #tpu.memory_space<vmem>>[vector<16xi32>, vector<16xi32>], vector<16xf32>,
      %add3A_138 = arith.addf %gather3A_136, %gather3A_137 : vector<16xf32>
      %ge3A_139 = arith.constant 0.000000e+00 : f32
      %ge3A_140 = vector.broadcast %ge3A_139 : f32 to vector<16xf32>
      %ge3A_141 = arith.cmpf oge, %add3A_138, %ge3A_140 : vector<16xf32>
      %mul3A_142 = arith.constant 2.000000e-01 : f32
      %mul3A_143 = vector.broadcast %mul3A_142 : f32 to vector<16xf32>
      %mul3A_144 = arith.mulf %mul3A_143, %add3A_138 : vector<16xf32>
      %select_n3A_145 = arith.select %ge3A_141, %add3A_138, %mul3A_144 : vector<16xi1>, vector<16xf32>
      tpu.vector_store_idx %arg6[%add3A_25, %broadcast_in_dim3A_135], %select_n3A_145 : memref<2048x16xf32, #tpu.memory_space<vmem>>[vector<16xi32>, vector<16xi32>], vector<16xf32>,
      %broadcast_in_dim3A_146 = arith.constant 8 : i32
      %broadcast_in_dim3A_147 = vector.broadcast %broadcast_in_dim3A_146 : i32 to vector<16xi32>
      %gather3A_148 = tpu.vector_load_idx %arg6[%add3A_25, %broadcast_in_dim3A_147] : memref<2048x16xf32, #tpu.memory_space<vmem>>[vector<16xi32>, vector<16xi32>], vector<16xf32>,
      %gather3A_149 = tpu.vector_load_idx %arg11[%get3A_28, %broadcast_in_dim3A_147] : memref<1024x16xf32, #tpu.memory_space<vmem>>[vector<16xi32>, vector<16xi32>], vector<16xf32>,
      %add3A_150 = arith.addf %gather3A_148, %gather3A_149 : vector<16xf32>
      %ge3A_151 = arith.constant 0.000000e+00 : f32
      %ge3A_152 = vector.broadcast %ge3A_151 : f32 to vector<16xf32>
      %ge3A_153 = arith.cmpf oge, %add3A_150, %ge3A_152 : vector<16xf32>
      %mul3A_154 = arith.constant 2.000000e-01 : f32
      %mul3A_155 = vector.broadcast %mul3A_154 : f32 to vector<16xf32>
      %mul3A_156 = arith.mulf %mul3A_155, %add3A_150 : vector<16xf32>
      %select_n3A_157 = arith.select %ge3A_153, %add3A_150, %mul3A_156 : vector<16xi1>, vector<16xf32>
      tpu.vector_store_idx %arg6[%add3A_25, %broadcast_in_dim3A_147], %select_n3A_157 : memref<2048x16xf32, #tpu.memory_space<vmem>>[vector<16xi32>, vector<16xi32>], vector<16xf32>,
      %broadcast_in_dim3A_158 = arith.constant 9 : i32
      %broadcast_in_dim3A_159 = vector.broadcast %broadcast_in_dim3A_158 : i32 to vector<16xi32>
      %gather3A_160 = tpu.vector_load_idx %arg6[%add3A_25, %broadcast_in_dim3A_159] : memref<2048x16xf32, #tpu.memory_space<vmem>>[vector<16xi32>, vector<16xi32>], vector<16xf32>,
      %gather3A_161 = tpu.vector_load_idx %arg11[%get3A_28, %broadcast_in_dim3A_159] : memref<1024x16xf32, #tpu.memory_space<vmem>>[vector<16xi32>, vector<16xi32>], vector<16xf32>,
      %add3A_162 = arith.addf %gather3A_160, %gather3A_161 : vector<16xf32>
      %ge3A_163 = arith.constant 0.000000e+00 : f32
      %ge3A_164 = vector.broadcast %ge3A_163 : f32 to vector<16xf32>
      %ge3A_165 = arith.cmpf oge, %add3A_162, %ge3A_164 : vector<16xf32>
      %mul3A_166 = arith.constant 2.000000e-01 : f32
      %mul3A_167 = vector.broadcast %mul3A_166 : f32 to vector<16xf32>
      %mul3A_168 = arith.mulf %mul3A_167, %add3A_162 : vector<16xf32>
      %select_n3A_169 = arith.select %ge3A_165, %add3A_162, %mul3A_168 : vector<16xi1>, vector<16xf32>
      tpu.vector_store_idx %arg6[%add3A_25, %broadcast_in_dim3A_159], %select_n3A_169 : memref<2048x16xf32, #tpu.memory_space<vmem>>[vector<16xi32>, vector<16xi32>], vector<16xf32>,
      %broadcast_in_dim3A_170 = arith.constant 10 : i32
      %broadcast_in_dim3A_171 = vector.broadcast %broadcast_in_dim3A_170 : i32 to vector<16xi32>
      %gather3A_172 = tpu.vector_load_idx %arg6[%add3A_25, %broadcast_in_dim3A_171] : memref<2048x16xf32, #tpu.memory_space<vmem>>[vector<16xi32>, vector<16xi32>], vector<16xf32>,
      %gather3A_173 = tpu.vector_load_idx %arg11[%get3A_28, %broadcast_in_dim3A_171] : memref<1024x16xf32, #tpu.memory_space<vmem>>[vector<16xi32>, vector<16xi32>], vector<16xf32>,
      %add3A_174 = arith.addf %gather3A_172, %gather3A_173 : vector<16xf32>
      %ge3A_175 = arith.constant 0.000000e+00 : f32
      %ge3A_176 = vector.broadcast %ge3A_175 : f32 to vector<16xf32>
      %ge3A_177 = arith.cmpf oge, %add3A_174, %ge3A_176 : vector<16xf32>
      %mul3A_178 = arith.constant 2.000000e-01 : f32
      %mul3A_179 = vector.broadcast %mul3A_178 : f32 to vector<16xf32>
      %mul3A_180 = arith.mulf %mul3A_179, %add3A_174 : vector<16xf32>
      %select_n3A_181 = arith.select %ge3A_177, %add3A_174, %mul3A_180 : vector<16xi1>, vector<16xf32>
      tpu.vector_store_idx %arg6[%add3A_25, %broadcast_in_dim3A_171], %select_n3A_181 : memref<2048x16xf32, #tpu.memory_space<vmem>>[vector<16xi32>, vector<16xi32>], vector<16xf32>,
      %broadcast_in_dim3A_182 = arith.constant 11 : i32
      %broadcast_in_dim3A_183 = vector.broadcast %broadcast_in_dim3A_182 : i32 to vector<16xi32>
      %gather3A_184 = tpu.vector_load_idx %arg6[%add3A_25, %broadcast_in_dim3A_183] : memref<2048x16xf32, #tpu.memory_space<vmem>>[vector<16xi32>, vector<16xi32>], vector<16xf32>,
      %gather3A_185 = tpu.vector_load_idx %arg11[%get3A_28, %broadcast_in_dim3A_183] : memref<1024x16xf32, #tpu.memory_space<vmem>>[vector<16xi32>, vector<16xi32>], vector<16xf32>,
      %add3A_186 = arith.addf %gather3A_184, %gather3A_185 : vector<16xf32>
      %ge3A_187 = arith.constant 0.000000e+00 : f32
      %ge3A_188 = vector.broadcast %ge3A_187 : f32 to vector<16xf32>
      %ge3A_189 = arith.cmpf oge, %add3A_186, %ge3A_188 : vector<16xf32>
      %mul3A_190 = arith.constant 2.000000e-01 : f32
      %mul3A_191 = vector.broadcast %mul3A_190 : f32 to vector<16xf32>
      %mul3A_192 = arith.mulf %mul3A_191, %add3A_186 : vector<16xf32>
      %select_n3A_193 = arith.select %ge3A_189, %add3A_186, %mul3A_192 : vector<16xi1>, vector<16xf32>
      tpu.vector_store_idx %arg6[%add3A_25, %broadcast_in_dim3A_183], %select_n3A_193 : memref<2048x16xf32, #tpu.memory_space<vmem>>[vector<16xi32>, vector<16xi32>], vector<16xf32>,
    }
    %scan3A_14 = arith.constant 128 : i32
    %scan3A_15 = arith.constant 0 : i32
    %scan3A_16 = arith.constant 0 : i32
    %scan3A_17 = arith.constant 16 : i32
    %scan3A_18 = arith.addi %scan3A_16, %scan3A_17 : i32
    %scan3A_19 = arith.constant 1 : i32
    scf.for %scan3A_21 = %scan3A_16 to %scan3A_18 step %scan3A_19  : i32 {
      %mul3A_22 = arith.constant 16 : i32
      %mul3A_23 = arith.muli %arg0, %mul3A_22 : i32
      %add3A_24 = arith.addi %mul3A_23, %scan3A_21 : i32
      %mul3A_25 = arith.constant 2048 : i32
      %mul3A_26 = arith.muli %arg1, %mul3A_25 : i32
      "tpu.region"() ({
        %run_scoped3A_360 = tpu.sem_alloc : memref<!tpu.dma_semaphore, #tpu.memory_space<semaphore_mem>>
        %dma_start3A_361 = arith.constant 0 : i32
        %dma_start3A_362 = tpu.memref_slice %arg12[%mul3A_26, %dma_start3A_361] : memref<32784x16xf32, #tpu.memory_space<vmem_shared>> -> memref<2048x16xf32, #tpu.memory_space<vmem_shared>>
        %dma_start3A_363 = arith.constant 0 : i32
        %dma_start3A_364 = tpu.memref_slice %arg12[%mul3A_26, %dma_start3A_363] : memref<32784x16xf32, #tpu.memory_space<vmem_shared>> -> memref<2048x16xf32, #tpu.memory_space<vmem_shared>>
        tpu.enqueue_dma source(%arg7 : memref<2048x16xf32, #tpu.memory_space<vmem>>) target(%dma_start3A_364 : memref<2048x16xf32, #tpu.memory_space<vmem_shared>>) target_semaphore(%run_scoped3A_360 : memref<!tpu.dma_semaphore, #tpu.memory_space<semaphore_mem>>)
        %dma_wait3A_365 = arith.constant 0 : i32
        %dma_wait3A_366 = tpu.memref_slice %arg12[%mul3A_26, %dma_wait3A_365] : memref<32784x16xf32, #tpu.memory_space<vmem_shared>> -> memref<2048x16xf32, #tpu.memory_space<vmem_shared>>
        %dma_wait3A_367 = arith.constant 0 : i32
        %dma_wait3A_368 = tpu.memref_slice %arg12[%mul3A_26, %dma_wait3A_367] : memref<32784x16xf32, #tpu.memory_space<vmem_shared>> -> memref<2048x16xf32, #tpu.memory_space<vmem_shared>>
        tpu.wait_dma2 semaphore(%run_scoped3A_360 : memref<!tpu.dma_semaphore, #tpu.memory_space<semaphore_mem>>) src(%arg7 : memref<2048x16xf32, #tpu.memory_space<vmem>>) dst(%dma_wait3A_368 : memref<2048x16xf32, #tpu.memory_space<vmem_shared>>)
        tpu.yield
      }) : () -> ()
      %barrier3A = arith.constant 0 : index
      tpu.barrier barrier_id(%barrier3A)
      %scan3A_27 = arith.constant 0 : i32
      %scan3A_28 = arith.constant 0 : i32
      %scan3A_29 = arith.constant 128 : i32
      %scan3A_30 = arith.addi %scan3A_28, %scan3A_29 : i32
      %scan3A_31 = arith.constant 1 : i32
      scf.for %scan3A_360 = %scan3A_28 to %scan3A_30 step %scan3A_31  : i32 {
        %mul3A_361 = arith.constant 16 : i32
        %mul3A_362 = arith.muli %scan3A_360, %mul3A_361 : i32
        %get3A = arith.index_cast %mul3A_362 : i32 to index
        %get3A_363 = tpu.vector_load %arg8[%get3A] {strides = array<i32>} : memref<2048xi32, #tpu.memory_space<vmem>>, vector<16xi32>,
        %mul3A_364 = arith.constant 16 : i32
        %mul3A_365 = arith.muli %scan3A_360, %mul3A_364 : i32
        %get3A_366 = arith.index_cast %mul3A_365 : i32 to index
        %get3A_367 = tpu.vector_load %arg9[%get3A_366] {strides = array<i32>} : memref<2048xi32, #tpu.memory_space<vmem>>, vector<16xi32>,
        %shift_right_arithmetic3A = arith.constant 5 : i32
        %shift_right_arithmetic3A_368 = vector.broadcast %shift_right_arithmetic3A : i32 to vector<16xi32>
        %shift_right_arithmetic3A_369 = arith.shrsi %get3A_363, %shift_right_arithmetic3A_368 : vector<16xi32>
        %eq3A = vector.broadcast %add3A_24 : i32 to vector<16xi32>
        %eq3A_370 = arith.cmpi eq, %shift_right_arithmetic3A_369, %eq3A : vector<16xi32>
        %and3A = arith.constant 31 : i32
        %and3A_371 = vector.broadcast %and3A : i32 to vector<16xi32>
        %and3A_372 = arith.andi %get3A_363, %and3A_371 : vector<16xi32>
        %shift_left3A = arith.constant 10 : i32
        %shift_left3A_373 = vector.broadcast %shift_left3A : i32 to vector<16xi32>
        %shift_left3A_374 = arith.shli %and3A_372, %shift_left3A_373 : vector<16xi32>
        %or3A = arith.ori %shift_left3A_374, %get3A_367 : vector<16xi32>
        %broadcast_in_dim3A_375 = vector.broadcast %add3A_2 : i32 to vector<16xi32>
        %select_n3A = arith.select %eq3A_370, %or3A, %broadcast_in_dim3A_375 : vector<16xi1>, vector<16xi32>
        %shift_right_arithmetic3A_376 = arith.constant 3 : i32
        %shift_right_arithmetic3A_377 = arith.shrsi %scan3A_360, %shift_right_arithmetic3A_376 : i32
        %and3A_378 = arith.constant 7 : i32
        %and3A_379 = arith.andi %scan3A_360, %and3A_378 : i32
        %mul3A_380 = arith.constant 16 : i32
        %mul3A_381 = arith.muli %and3A_379, %mul3A_380 : i32
        %swap3A = arith.index_cast %shift_right_arithmetic3A_377 : i32 to index
        %swap3A_382 = arith.index_cast %mul3A_381 : i32 to index
        %swap3A_383 = tpu.vector_load %arg10[%swap3A, %swap3A_382] {strides = array<i32>} : memref<16x128xi32, #tpu.memory_space<vmem>>, vector<16xi32>,
        tpu.vector_store %arg10[%swap3A, %swap3A_382], %select_n3A {strides = array<i32>} : memref<16x128xi32, #tpu.memory_space<vmem>>, vector<16xi32>,
      }
      %scan3A_32 = arith.constant 128 : i32
      %dma_start3A = arith.constant 0 : i32
      %dma_start3A_33 = arith.constant 0 : i32
      %dma_start3A_34 = arith.constant 0 : i32
      %dma_start3A_35 = tpu.memref_slice %arg6[%dma_start3A_33, %dma_start3A_34] : memref<2048x16xf32, #tpu.memory_space<vmem>> -> memref<128x16xf32, #tpu.memory_space<vmem>>
      %dma_start3A_36 = arith.constant 0 : i32
      %dma_start3A_37 = tpu.memref_slice %arg10[%dma_start3A, %dma_start3A_36] : memref<16x128xi32, #tpu.memory_space<vmem>> -> memref<1x128xi32, #tpu.memory_space<vmem>>
      %dma_start3A_38 = tpu.memref_squeeze %dma_start3A_37 : memref<1x128xi32, #tpu.memory_space<vmem>> -> memref<128xi32, #tpu.memory_space<vmem>>
      %dma_start3A_39 = arith.constant 0 : i32
      %dma_start3A_40 = arith.constant 0 : i32
      %dma_start3A_41 = tpu.memref_slice %arg12[%dma_start3A_39, %dma_start3A_40] : memref<32784x16xf32, #tpu.memory_space<vmem_shared>> -> memref<32784x16xf32, #tpu.memory_space<vmem_shared>>
      tpu.enqueue_indirect_dma source(%dma_start3A_35 : memref<128x16xf32, #tpu.memory_space<vmem>>) target(%dma_start3A_41 : memref<32784x16xf32, #tpu.memory_space<vmem_shared>>) offsets(%dma_start3A_38 : memref<128xi32, #tpu.memory_space<vmem>>) semaphore(%arg13 : memref<!tpu.dma_semaphore, #tpu.memory_space<semaphore_mem>>) {add = true}
      %dma_start3A_42 = arith.constant 1 : i32
      %dma_start3A_43 = arith.constant 128 : i32
      %dma_start3A_44 = arith.constant 0 : i32
      %dma_start3A_45 = tpu.memref_slice %arg6[%dma_start3A_43, %dma_start3A_44] : memref<2048x16xf32, #tpu.memory_space<vmem>> -> memref<128x16xf32, #tpu.memory_space<vmem>>
      %dma_start3A_46 = arith.constant 0 : i32
      %dma_start3A_47 = tpu.memref_slice %arg10[%dma_start3A_42, %dma_start3A_46] : memref<16x128xi32, #tpu.memory_space<vmem>> -> memref<1x128xi32, #tpu.memory_space<vmem>>
      %dma_start3A_48 = tpu.memref_squeeze %dma_start3A_47 : memref<1x128xi32, #tpu.memory_space<vmem>> -> memref<128xi32, #tpu.memory_space<vmem>>
      %dma_start3A_49 = arith.constant 0 : i32
      %dma_start3A_50 = arith.constant 0 : i32
      %dma_start3A_51 = tpu.memref_slice %arg12[%dma_start3A_49, %dma_start3A_50] : memref<32784x16xf32, #tpu.memory_space<vmem_shared>> -> memref<32784x16xf32, #tpu.memory_space<vmem_shared>>
      tpu.enqueue_indirect_dma source(%dma_start3A_45 : memref<128x16xf32, #tpu.memory_space<vmem>>) target(%dma_start3A_51 : memref<32784x16xf32, #tpu.memory_space<vmem_shared>>) offsets(%dma_start3A_48 : memref<128xi32, #tpu.memory_space<vmem>>) semaphore(%arg13 : memref<!tpu.dma_semaphore, #tpu.memory_space<semaphore_mem>>) {add = true}
      %dma_start3A_52 = arith.constant 2 : i32
      %dma_start3A_53 = arith.constant 256 : i32
      %dma_start3A_54 = arith.constant 0 : i32
      %dma_start3A_55 = tpu.memref_slice %arg6[%dma_start3A_53, %dma_start3A_54] : memref<2048x16xf32, #tpu.memory_space<vmem>> -> memref<128x16xf32, #tpu.memory_space<vmem>>
      %dma_start3A_56 = arith.constant 0 : i32
      %dma_start3A_57 = tpu.memref_slice %arg10[%dma_start3A_52, %dma_start3A_56] : memref<16x128xi32, #tpu.memory_space<vmem>> -> memref<1x128xi32, #tpu.memory_space<vmem>>
      %dma_start3A_58 = tpu.memref_squeeze %dma_start3A_57 : memref<1x128xi32, #tpu.memory_space<vmem>> -> memref<128xi32, #tpu.memory_space<vmem>>
      %dma_start3A_59 = arith.constant 0 : i32
      %dma_start3A_60 = arith.constant 0 : i32
      %dma_start3A_61 = tpu.memref_slice %arg12[%dma_start3A_59, %dma_start3A_60] : memref<32784x16xf32, #tpu.memory_space<vmem_shared>> -> memref<32784x16xf32, #tpu.memory_space<vmem_shared>>
      tpu.enqueue_indirect_dma source(%dma_start3A_55 : memref<128x16xf32, #tpu.memory_space<vmem>>) target(%dma_start3A_61 : memref<32784x16xf32, #tpu.memory_space<vmem_shared>>) offsets(%dma_start3A_58 : memref<128xi32, #tpu.memory_space<vmem>>) semaphore(%arg13 : memref<!tpu.dma_semaphore, #tpu.memory_space<semaphore_mem>>) {add = true}
      %dma_start3A_62 = arith.constant 3 : i32
      %dma_start3A_63 = arith.constant 384 : i32
      %dma_start3A_64 = arith.constant 0 : i32
      %dma_start3A_65 = tpu.memref_slice %arg6[%dma_start3A_63, %dma_start3A_64] : memref<2048x16xf32, #tpu.memory_space<vmem>> -> memref<128x16xf32, #tpu.memory_space<vmem>>
      %dma_start3A_66 = arith.constant 0 : i32
      %dma_start3A_67 = tpu.memref_slice %arg10[%dma_start3A_62, %dma_start3A_66] : memref<16x128xi32, #tpu.memory_space<vmem>> -> memref<1x128xi32, #tpu.memory_space<vmem>>
      %dma_start3A_68 = tpu.memref_squeeze %dma_start3A_67 : memref<1x128xi32, #tpu.memory_space<vmem>> -> memref<128xi32, #tpu.memory_space<vmem>>
      %dma_start3A_69 = arith.constant 0 : i32
      %dma_start3A_70 = arith.constant 0 : i32
      %dma_start3A_71 = tpu.memref_slice %arg12[%dma_start3A_69, %dma_start3A_70] : memref<32784x16xf32, #tpu.memory_space<vmem_shared>> -> memref<32784x16xf32, #tpu.memory_space<vmem_shared>>
      tpu.enqueue_indirect_dma source(%dma_start3A_65 : memref<128x16xf32, #tpu.memory_space<vmem>>) target(%dma_start3A_71 : memref<32784x16xf32, #tpu.memory_space<vmem_shared>>) offsets(%dma_start3A_68 : memref<128xi32, #tpu.memory_space<vmem>>) semaphore(%arg13 : memref<!tpu.dma_semaphore, #tpu.memory_space<semaphore_mem>>) {add = true}
      %dma_start3A_72 = arith.constant 4 : i32
      %dma_start3A_73 = arith.constant 512 : i32
      %dma_start3A_74 = arith.constant 0 : i32
      %dma_start3A_75 = tpu.memref_slice %arg6[%dma_start3A_73, %dma_start3A_74] : memref<2048x16xf32, #tpu.memory_space<vmem>> -> memref<128x16xf32, #tpu.memory_space<vmem>>
      %dma_start3A_76 = arith.constant 0 : i32
      %dma_start3A_77 = tpu.memref_slice %arg10[%dma_start3A_72, %dma_start3A_76] : memref<16x128xi32, #tpu.memory_space<vmem>> -> memref<1x128xi32, #tpu.memory_space<vmem>>
      %dma_start3A_78 = tpu.memref_squeeze %dma_start3A_77 : memref<1x128xi32, #tpu.memory_space<vmem>> -> memref<128xi32, #tpu.memory_space<vmem>>
      %dma_start3A_79 = arith.constant 0 : i32
      %dma_start3A_80 = arith.constant 0 : i32
      %dma_start3A_81 = tpu.memref_slice %arg12[%dma_start3A_79, %dma_start3A_80] : memref<32784x16xf32, #tpu.memory_space<vmem_shared>> -> memref<32784x16xf32, #tpu.memory_space<vmem_shared>>
      tpu.enqueue_indirect_dma source(%dma_start3A_75 : memref<128x16xf32, #tpu.memory_space<vmem>>) target(%dma_start3A_81 : memref<32784x16xf32, #tpu.memory_space<vmem_shared>>) offsets(%dma_start3A_78 : memref<128xi32, #tpu.memory_space<vmem>>) semaphore(%arg13 : memref<!tpu.dma_semaphore, #tpu.memory_space<semaphore_mem>>) {add = true}
      %dma_start3A_82 = arith.constant 5 : i32
      %dma_start3A_83 = arith.constant 640 : i32
      %dma_start3A_84 = arith.constant 0 : i32
      %dma_start3A_85 = tpu.memref_slice %arg6[%dma_start3A_83, %dma_start3A_84] : memref<2048x16xf32, #tpu.memory_space<vmem>> -> memref<128x16xf32, #tpu.memory_space<vmem>>
      %dma_start3A_86 = arith.constant 0 : i32
      %dma_start3A_87 = tpu.memref_slice %arg10[%dma_start3A_82, %dma_start3A_86] : memref<16x128xi32, #tpu.memory_space<vmem>> -> memref<1x128xi32, #tpu.memory_space<vmem>>
      %dma_start3A_88 = tpu.memref_squeeze %dma_start3A_87 : memref<1x128xi32, #tpu.memory_space<vmem>> -> memref<128xi32, #tpu.memory_space<vmem>>
      %dma_start3A_89 = arith.constant 0 : i32
      %dma_start3A_90 = arith.constant 0 : i32
      %dma_start3A_91 = tpu.memref_slice %arg12[%dma_start3A_89, %dma_start3A_90] : memref<32784x16xf32, #tpu.memory_space<vmem_shared>> -> memref<32784x16xf32, #tpu.memory_space<vmem_shared>>
      tpu.enqueue_indirect_dma source(%dma_start3A_85 : memref<128x16xf32, #tpu.memory_space<vmem>>) target(%dma_start3A_91 : memref<32784x16xf32, #tpu.memory_space<vmem_shared>>) offsets(%dma_start3A_88 : memref<128xi32, #tpu.memory_space<vmem>>) semaphore(%arg13 : memref<!tpu.dma_semaphore, #tpu.memory_space<semaphore_mem>>) {add = true}
      %dma_start3A_92 = arith.constant 6 : i32
      %dma_start3A_93 = arith.constant 768 : i32
      %dma_start3A_94 = arith.constant 0 : i32
      %dma_start3A_95 = tpu.memref_slice %arg6[%dma_start3A_93, %dma_start3A_94] : memref<2048x16xf32, #tpu.memory_space<vmem>> -> memref<128x16xf32, #tpu.memory_space<vmem>>
      %dma_start3A_96 = arith.constant 0 : i32
      %dma_start3A_97 = tpu.memref_slice %arg10[%dma_start3A_92, %dma_start3A_96] : memref<16x128xi32, #tpu.memory_space<vmem>> -> memref<1x128xi32, #tpu.memory_space<vmem>>
      %dma_start3A_98 = tpu.memref_squeeze %dma_start3A_97 : memref<1x128xi32, #tpu.memory_space<vmem>> -> memref<128xi32, #tpu.memory_space<vmem>>
      %dma_start3A_99 = arith.constant 0 : i32
      %dma_start3A_100 = arith.constant 0 : i32
      %dma_start3A_101 = tpu.memref_slice %arg12[%dma_start3A_99, %dma_start3A_100] : memref<32784x16xf32, #tpu.memory_space<vmem_shared>> -> memref<32784x16xf32, #tpu.memory_space<vmem_shared>>
      tpu.enqueue_indirect_dma source(%dma_start3A_95 : memref<128x16xf32, #tpu.memory_space<vmem>>) target(%dma_start3A_101 : memref<32784x16xf32, #tpu.memory_space<vmem_shared>>) offsets(%dma_start3A_98 : memref<128xi32, #tpu.memory_space<vmem>>) semaphore(%arg13 : memref<!tpu.dma_semaphore, #tpu.memory_space<semaphore_mem>>) {add = true}
      %dma_start3A_102 = arith.constant 7 : i32
      %dma_start3A_103 = arith.constant 896 : i32
      %dma_start3A_104 = arith.constant 0 : i32
      %dma_start3A_105 = tpu.memref_slice %arg6[%dma_start3A_103, %dma_start3A_104] : memref<2048x16xf32, #tpu.memory_space<vmem>> -> memref<128x16xf32, #tpu.memory_space<vmem>>
      %dma_start3A_106 = arith.constant 0 : i32
      %dma_start3A_107 = tpu.memref_slice %arg10[%dma_start3A_102, %dma_start3A_106] : memref<16x128xi32, #tpu.memory_space<vmem>> -> memref<1x128xi32, #tpu.memory_space<vmem>>
      %dma_start3A_108 = tpu.memref_squeeze %dma_start3A_107 : memref<1x128xi32, #tpu.memory_space<vmem>> -> memref<128xi32, #tpu.memory_space<vmem>>
      %dma_start3A_109 = arith.constant 0 : i32
      %dma_start3A_110 = arith.constant 0 : i32
      %dma_start3A_111 = tpu.memref_slice %arg12[%dma_start3A_109, %dma_start3A_110] : memref<32784x16xf32, #tpu.memory_space<vmem_shared>> -> memref<32784x16xf32, #tpu.memory_space<vmem_shared>>
      tpu.enqueue_indirect_dma source(%dma_start3A_105 : memref<128x16xf32, #tpu.memory_space<vmem>>) target(%dma_start3A_111 : memref<32784x16xf32, #tpu.memory_space<vmem_shared>>) offsets(%dma_start3A_108 : memref<128xi32, #tpu.memory_space<vmem>>) semaphore(%arg13 : memref<!tpu.dma_semaphore, #tpu.memory_space<semaphore_mem>>) {add = true}
      %dma_start3A_112 = arith.constant 8 : i32
      %dma_start3A_113 = arith.constant 1024 : i32
      %dma_start3A_114 = arith.constant 0 : i32
      %dma_start3A_115 = tpu.memref_slice %arg6[%dma_start3A_113, %dma_start3A_114] : memref<2048x16xf32, #tpu.memory_space<vmem>> -> memref<128x16xf32, #tpu.memory_space<vmem>>
      %dma_start3A_116 = arith.constant 0 : i32
      %dma_start3A_117 = tpu.memref_slice %arg10[%dma_start3A_112, %dma_start3A_116] : memref<16x128xi32, #tpu.memory_space<vmem>> -> memref<1x128xi32, #tpu.memory_space<vmem>>
      %dma_start3A_118 = tpu.memref_squeeze %dma_start3A_117 : memref<1x128xi32, #tpu.memory_space<vmem>> -> memref<128xi32, #tpu.memory_space<vmem>>
      %dma_start3A_119 = arith.constant 0 : i32
      %dma_start3A_120 = arith.constant 0 : i32
      %dma_start3A_121 = tpu.memref_slice %arg12[%dma_start3A_119, %dma_start3A_120] : memref<32784x16xf32, #tpu.memory_space<vmem_shared>> -> memref<32784x16xf32, #tpu.memory_space<vmem_shared>>
      tpu.enqueue_indirect_dma source(%dma_start3A_115 : memref<128x16xf32, #tpu.memory_space<vmem>>) target(%dma_start3A_121 : memref<32784x16xf32, #tpu.memory_space<vmem_shared>>) offsets(%dma_start3A_118 : memref<128xi32, #tpu.memory_space<vmem>>) semaphore(%arg13 : memref<!tpu.dma_semaphore, #tpu.memory_space<semaphore_mem>>) {add = true}
      %dma_start3A_122 = arith.constant 9 : i32
      %dma_start3A_123 = arith.constant 1152 : i32
      %dma_start3A_124 = arith.constant 0 : i32
      %dma_start3A_125 = tpu.memref_slice %arg6[%dma_start3A_123, %dma_start3A_124] : memref<2048x16xf32, #tpu.memory_space<vmem>> -> memref<128x16xf32, #tpu.memory_space<vmem>>
      %dma_start3A_126 = arith.constant 0 : i32
      %dma_start3A_127 = tpu.memref_slice %arg10[%dma_start3A_122, %dma_start3A_126] : memref<16x128xi32, #tpu.memory_space<vmem>> -> memref<1x128xi32, #tpu.memory_space<vmem>>
      %dma_start3A_128 = tpu.memref_squeeze %dma_start3A_127 : memref<1x128xi32, #tpu.memory_space<vmem>> -> memref<128xi32, #tpu.memory_space<vmem>>
      %dma_start3A_129 = arith.constant 0 : i32
      %dma_start3A_130 = arith.constant 0 : i32
      %dma_start3A_131 = tpu.memref_slice %arg12[%dma_start3A_129, %dma_start3A_130] : memref<32784x16xf32, #tpu.memory_space<vmem_shared>> -> memref<32784x16xf32, #tpu.memory_space<vmem_shared>>
      tpu.enqueue_indirect_dma source(%dma_start3A_125 : memref<128x16xf32, #tpu.memory_space<vmem>>) target(%dma_start3A_131 : memref<32784x16xf32, #tpu.memory_space<vmem_shared>>) offsets(%dma_start3A_128 : memref<128xi32, #tpu.memory_space<vmem>>) semaphore(%arg13 : memref<!tpu.dma_semaphore, #tpu.memory_space<semaphore_mem>>) {add = true}
      %dma_start3A_132 = arith.constant 10 : i32
      %dma_start3A_133 = arith.constant 1280 : i32
      %dma_start3A_134 = arith.constant 0 : i32
      %dma_start3A_135 = tpu.memref_slice %arg6[%dma_start3A_133, %dma_start3A_134] : memref<2048x16xf32, #tpu.memory_space<vmem>> -> memref<128x16xf32, #tpu.memory_space<vmem>>
      %dma_start3A_136 = arith.constant 0 : i32
      %dma_start3A_137 = tpu.memref_slice %arg10[%dma_start3A_132, %dma_start3A_136] : memref<16x128xi32, #tpu.memory_space<vmem>> -> memref<1x128xi32, #tpu.memory_space<vmem>>
      %dma_start3A_138 = tpu.memref_squeeze %dma_start3A_137 : memref<1x128xi32, #tpu.memory_space<vmem>> -> memref<128xi32, #tpu.memory_space<vmem>>
      %dma_start3A_139 = arith.constant 0 : i32
      %dma_start3A_140 = arith.constant 0 : i32
      %dma_start3A_141 = tpu.memref_slice %arg12[%dma_start3A_139, %dma_start3A_140] : memref<32784x16xf32, #tpu.memory_space<vmem_shared>> -> memref<32784x16xf32, #tpu.memory_space<vmem_shared>>
      tpu.enqueue_indirect_dma source(%dma_start3A_135 : memref<128x16xf32, #tpu.memory_space<vmem>>) target(%dma_start3A_141 : memref<32784x16xf32, #tpu.memory_space<vmem_shared>>) offsets(%dma_start3A_138 : memref<128xi32, #tpu.memory_space<vmem>>) semaphore(%arg13 : memref<!tpu.dma_semaphore, #tpu.memory_space<semaphore_mem>>) {add = true}
      %dma_start3A_142 = arith.constant 11 : i32
      %dma_start3A_143 = arith.constant 1408 : i32
      %dma_start3A_144 = arith.constant 0 : i32
      %dma_start3A_145 = tpu.memref_slice %arg6[%dma_start3A_143, %dma_start3A_144] : memref<2048x16xf32, #tpu.memory_space<vmem>> -> memref<128x16xf32, #tpu.memory_space<vmem>>
      %dma_start3A_146 = arith.constant 0 : i32
      %dma_start3A_147 = tpu.memref_slice %arg10[%dma_start3A_142, %dma_start3A_146] : memref<16x128xi32, #tpu.memory_space<vmem>> -> memref<1x128xi32, #tpu.memory_space<vmem>>
      %dma_start3A_148 = tpu.memref_squeeze %dma_start3A_147 : memref<1x128xi32, #tpu.memory_space<vmem>> -> memref<128xi32, #tpu.memory_space<vmem>>
      %dma_start3A_149 = arith.constant 0 : i32
      %dma_start3A_150 = arith.constant 0 : i32
      %dma_start3A_151 = tpu.memref_slice %arg12[%dma_start3A_149, %dma_start3A_150] : memref<32784x16xf32, #tpu.memory_space<vmem_shared>> -> memref<32784x16xf32, #tpu.memory_space<vmem_shared>>
      tpu.enqueue_indirect_dma source(%dma_start3A_145 : memref<128x16xf32, #tpu.memory_space<vmem>>) target(%dma_start3A_151 : memref<32784x16xf32, #tpu.memory_space<vmem_shared>>) offsets(%dma_start3A_148 : memref<128xi32, #tpu.memory_space<vmem>>) semaphore(%arg13 : memref<!tpu.dma_semaphore, #tpu.memory_space<semaphore_mem>>) {add = true}
      %dma_start3A_152 = arith.constant 12 : i32
      %dma_start3A_153 = arith.constant 1536 : i32
      %dma_start3A_154 = arith.constant 0 : i32
      %dma_start3A_155 = tpu.memref_slice %arg6[%dma_start3A_153, %dma_start3A_154] : memref<2048x16xf32, #tpu.memory_space<vmem>> -> memref<128x16xf32, #tpu.memory_space<vmem>>
      %dma_start3A_156 = arith.constant 0 : i32
      %dma_start3A_157 = tpu.memref_slice %arg10[%dma_start3A_152, %dma_start3A_156] : memref<16x128xi32, #tpu.memory_space<vmem>> -> memref<1x128xi32, #tpu.memory_space<vmem>>
      %dma_start3A_158 = tpu.memref_squeeze %dma_start3A_157 : memref<1x128xi32, #tpu.memory_space<vmem>> -> memref<128xi32, #tpu.memory_space<vmem>>
      %dma_start3A_159 = arith.constant 0 : i32
      %dma_start3A_160 = arith.constant 0 : i32
      %dma_start3A_161 = tpu.memref_slice %arg12[%dma_start3A_159, %dma_start3A_160] : memref<32784x16xf32, #tpu.memory_space<vmem_shared>> -> memref<32784x16xf32, #tpu.memory_space<vmem_shared>>
      tpu.enqueue_indirect_dma source(%dma_start3A_155 : memref<128x16xf32, #tpu.memory_space<vmem>>) target(%dma_start3A_161 : memref<32784x16xf32, #tpu.memory_space<vmem_shared>>) offsets(%dma_start3A_158 : memref<128xi32, #tpu.memory_space<vmem>>) semaphore(%arg13 : memref<!tpu.dma_semaphore, #tpu.memory_space<semaphore_mem>>) {add = true}
      %dma_start3A_162 = arith.constant 13 : i32
      %dma_start3A_163 = arith.constant 1664 : i32
      %dma_start3A_164 = arith.constant 0 : i32
      %dma_start3A_165 = tpu.memref_slice %arg6[%dma_start3A_163, %dma_start3A_164] : memref<2048x16xf32, #tpu.memory_space<vmem>> -> memref<128x16xf32, #tpu.memory_space<vmem>>
      %dma_start3A_166 = arith.constant 0 : i32
      %dma_start3A_167 = tpu.memref_slice %arg10[%dma_start3A_162, %dma_start3A_166] : memref<16x128xi32, #tpu.memory_space<vmem>> -> memref<1x128xi32, #tpu.memory_space<vmem>>
      %dma_start3A_168 = tpu.memref_squeeze %dma_start3A_167 : memref<1x128xi32, #tpu.memory_space<vmem>> -> memref<128xi32, #tpu.memory_space<vmem>>
      %dma_start3A_169 = arith.constant 0 : i32
      %dma_start3A_170 = arith.constant 0 : i32
      %dma_start3A_171 = tpu.memref_slice %arg12[%dma_start3A_169, %dma_start3A_170] : memref<32784x16xf32, #tpu.memory_space<vmem_shared>> -> memref<32784x16xf32, #tpu.memory_space<vmem_shared>>
      tpu.enqueue_indirect_dma source(%dma_start3A_165 : memref<128x16xf32, #tpu.memory_space<vmem>>) target(%dma_start3A_171 : memref<32784x16xf32, #tpu.memory_space<vmem_shared>>) offsets(%dma_start3A_168 : memref<128xi32, #tpu.memory_space<vmem>>) semaphore(%arg13 : memref<!tpu.dma_semaphore, #tpu.memory_space<semaphore_mem>>) {add = true}
      %dma_start3A_172 = arith.constant 14 : i32
      %dma_start3A_173 = arith.constant 1792 : i32
      %dma_start3A_174 = arith.constant 0 : i32
      %dma_start3A_175 = tpu.memref_slice %arg6[%dma_start3A_173, %dma_start3A_174] : memref<2048x16xf32, #tpu.memory_space<vmem>> -> memref<128x16xf32, #tpu.memory_space<vmem>>
      %dma_start3A_176 = arith.constant 0 : i32
      %dma_start3A_177 = tpu.memref_slice %arg10[%dma_start3A_172, %dma_start3A_176] : memref<16x128xi32, #tpu.memory_space<vmem>> -> memref<1x128xi32, #tpu.memory_space<vmem>>
      %dma_start3A_178 = tpu.memref_squeeze %dma_start3A_177 : memref<1x128xi32, #tpu.memory_space<vmem>> -> memref<128xi32, #tpu.memory_space<vmem>>
      %dma_start3A_179 = arith.constant 0 : i32
      %dma_start3A_180 = arith.constant 0 : i32
      %dma_start3A_181 = tpu.memref_slice %arg12[%dma_start3A_179, %dma_start3A_180] : memref<32784x16xf32, #tpu.memory_space<vmem_shared>> -> memref<32784x16xf32, #tpu.memory_space<vmem_shared>>
      tpu.enqueue_indirect_dma source(%dma_start3A_175 : memref<128x16xf32, #tpu.memory_space<vmem>>) target(%dma_start3A_181 : memref<32784x16xf32, #tpu.memory_space<vmem_shared>>) offsets(%dma_start3A_178 : memref<128xi32, #tpu.memory_space<vmem>>) semaphore(%arg13 : memref<!tpu.dma_semaphore, #tpu.memory_space<semaphore_mem>>) {add = true}
      %dma_start3A_182 = arith.constant 15 : i32
      %dma_start3A_183 = arith.constant 1920 : i32
      %dma_start3A_184 = arith.constant 0 : i32
      %dma_start3A_185 = tpu.memref_slice %arg6[%dma_start3A_183, %dma_start3A_184] : memref<2048x16xf32, #tpu.memory_space<vmem>> -> memref<128x16xf32, #tpu.memory_space<vmem>>
      %dma_start3A_186 = arith.constant 0 : i32
      %dma_start3A_187 = tpu.memref_slice %arg10[%dma_start3A_182, %dma_start3A_186] : memref<16x128xi32, #tpu.memory_space<vmem>> -> memref<1x128xi32, #tpu.memory_space<vmem>>
      %dma_start3A_188 = tpu.memref_squeeze %dma_start3A_187 : memref<1x128xi32, #tpu.memory_space<vmem>> -> memref<128xi32, #tpu.memory_space<vmem>>
      %dma_start3A_189 = arith.constant 0 : i32
      %dma_start3A_190 = arith.constant 0 : i32
      %dma_start3A_191 = tpu.memref_slice %arg12[%dma_start3A_189, %dma_start3A_190] : memref<32784x16xf32, #tpu.memory_space<vmem_shared>> -> memref<32784x16xf32, #tpu.memory_space<vmem_shared>>
      tpu.enqueue_indirect_dma source(%dma_start3A_185 : memref<128x16xf32, #tpu.memory_space<vmem>>) target(%dma_start3A_191 : memref<32784x16xf32, #tpu.memory_space<vmem_shared>>) offsets(%dma_start3A_188 : memref<128xi32, #tpu.memory_space<vmem>>) semaphore(%arg13 : memref<!tpu.dma_semaphore, #tpu.memory_space<semaphore_mem>>) {add = true}
      %dma_wait3A = arith.constant 0 : i32
      %dma_wait3A_192 = arith.constant 0 : i32
      %dma_wait3A_193 = arith.constant 0 : i32
      %dma_wait3A_194 = tpu.memref_slice %arg6[%dma_wait3A_192, %dma_wait3A_193] : memref<2048x16xf32, #tpu.memory_space<vmem>> -> memref<128x16xf32, #tpu.memory_space<vmem>>
      %dma_wait3A_195 = arith.constant 0 : i32
      %dma_wait3A_196 = tpu.memref_slice %arg10[%dma_wait3A, %dma_wait3A_195] : memref<16x128xi32, #tpu.memory_space<vmem>> -> memref<1x128xi32, #tpu.memory_space<vmem>>
      %dma_wait3A_197 = tpu.memref_squeeze %dma_wait3A_196 : memref<1x128xi32, #tpu.memory_space<vmem>> -> memref<128xi32, #tpu.memory_space<vmem>>
      %dma_wait3A_198 = arith.constant 0 : i32
      %dma_wait3A_199 = arith.constant 0 : i32
      %dma_wait3A_200 = tpu.memref_slice %arg12[%dma_wait3A_198, %dma_wait3A_199] : memref<32784x16xf32, #tpu.memory_space<vmem_shared>> -> memref<32784x16xf32, #tpu.memory_space<vmem_shared>>
      tpu.wait_indirect_dma semaphore(%arg13 : memref<!tpu.dma_semaphore, #tpu.memory_space<semaphore_mem>>) src(%dma_wait3A_194 : memref<128x16xf32, #tpu.memory_space<vmem>>) dst(%dma_wait3A_200 : memref<32784x16xf32, #tpu.memory_space<vmem_shared>>)
      %dma_wait3A_201 = arith.constant 1 : i32
      %dma_wait3A_202 = arith.constant 128 : i32
      %dma_wait3A_203 = arith.constant 0 : i32
      %dma_wait3A_204 = tpu.memref_slice %arg6[%dma_wait3A_202, %dma_wait3A_203] : memref<2048x16xf32, #tpu.memory_space<vmem>> -> memref<128x16xf32, #tpu.memory_space<vmem>>
      %dma_wait3A_205 = arith.constant 0 : i32
      %dma_wait3A_206 = tpu.memref_slice %arg10[%dma_wait3A_201, %dma_wait3A_205] : memref<16x128xi32, #tpu.memory_space<vmem>> -> memref<1x128xi32, #tpu.memory_space<vmem>>
      %dma_wait3A_207 = tpu.memref_squeeze %dma_wait3A_206 : memref<1x128xi32, #tpu.memory_space<vmem>> -> memref<128xi32, #tpu.memory_space<vmem>>
      %dma_wait3A_208 = arith.constant 0 : i32
      %dma_wait3A_209 = arith.constant 0 : i32
      %dma_wait3A_210 = tpu.memref_slice %arg12[%dma_wait3A_208, %dma_wait3A_209] : memref<32784x16xf32, #tpu.memory_space<vmem_shared>> -> memref<32784x16xf32, #tpu.memory_space<vmem_shared>>
      tpu.wait_indirect_dma semaphore(%arg13 : memref<!tpu.dma_semaphore, #tpu.memory_space<semaphore_mem>>) src(%dma_wait3A_204 : memref<128x16xf32, #tpu.memory_space<vmem>>) dst(%dma_wait3A_210 : memref<32784x16xf32, #tpu.memory_space<vmem_shared>>)
      %dma_wait3A_211 = arith.constant 2 : i32
      %dma_wait3A_212 = arith.constant 256 : i32
      %dma_wait3A_213 = arith.constant 0 : i32
      %dma_wait3A_214 = tpu.memref_slice %arg6[%dma_wait3A_212, %dma_wait3A_213] : memref<2048x16xf32, #tpu.memory_space<vmem>> -> memref<128x16xf32, #tpu.memory_space<vmem>>
      %dma_wait3A_215 = arith.constant 0 : i32
      %dma_wait3A_216 = tpu.memref_slice %arg10[%dma_wait3A_211, %dma_wait3A_215] : memref<16x128xi32, #tpu.memory_space<vmem>> -> memref<1x128xi32, #tpu.memory_space<vmem>>
      %dma_wait3A_217 = tpu.memref_squeeze %dma_wait3A_216 : memref<1x128xi32, #tpu.memory_space<vmem>> -> memref<128xi32, #tpu.memory_space<vmem>>
      %dma_wait3A_218 = arith.constant 0 : i32
      %dma_wait3A_219 = arith.constant 0 : i32
      %dma_wait3A_220 = tpu.memref_slice %arg12[%dma_wait3A_218, %dma_wait3A_219] : memref<32784x16xf32, #tpu.memory_space<vmem_shared>> -> memref<32784x16xf32, #tpu.memory_space<vmem_shared>>
      tpu.wait_indirect_dma semaphore(%arg13 : memref<!tpu.dma_semaphore, #tpu.memory_space<semaphore_mem>>) src(%dma_wait3A_214 : memref<128x16xf32, #tpu.memory_space<vmem>>) dst(%dma_wait3A_220 : memref<32784x16xf32, #tpu.memory_space<vmem_shared>>)
      %dma_wait3A_221 = arith.constant 3 : i32
      %dma_wait3A_222 = arith.constant 384 : i32
      %dma_wait3A_223 = arith.constant 0 : i32
      %dma_wait3A_224 = tpu.memref_slice %arg6[%dma_wait3A_222, %dma_wait3A_223] : memref<2048x16xf32, #tpu.memory_space<vmem>> -> memref<128x16xf32, #tpu.memory_space<vmem>>
      %dma_wait3A_225 = arith.constant 0 : i32
      %dma_wait3A_226 = tpu.memref_slice %arg10[%dma_wait3A_221, %dma_wait3A_225] : memref<16x128xi32, #tpu.memory_space<vmem>> -> memref<1x128xi32, #tpu.memory_space<vmem>>
      %dma_wait3A_227 = tpu.memref_squeeze %dma_wait3A_226 : memref<1x128xi32, #tpu.memory_space<vmem>> -> memref<128xi32, #tpu.memory_space<vmem>>
      %dma_wait3A_228 = arith.constant 0 : i32
      %dma_wait3A_229 = arith.constant 0 : i32
      %dma_wait3A_230 = tpu.memref_slice %arg12[%dma_wait3A_228, %dma_wait3A_229] : memref<32784x16xf32, #tpu.memory_space<vmem_shared>> -> memref<32784x16xf32, #tpu.memory_space<vmem_shared>>
      tpu.wait_indirect_dma semaphore(%arg13 : memref<!tpu.dma_semaphore, #tpu.memory_space<semaphore_mem>>) src(%dma_wait3A_224 : memref<128x16xf32, #tpu.memory_space<vmem>>) dst(%dma_wait3A_230 : memref<32784x16xf32, #tpu.memory_space<vmem_shared>>)
      %dma_wait3A_231 = arith.constant 4 : i32
      %dma_wait3A_232 = arith.constant 512 : i32
      %dma_wait3A_233 = arith.constant 0 : i32
      %dma_wait3A_234 = tpu.memref_slice %arg6[%dma_wait3A_232, %dma_wait3A_233] : memref<2048x16xf32, #tpu.memory_space<vmem>> -> memref<128x16xf32, #tpu.memory_space<vmem>>
      %dma_wait3A_235 = arith.constant 0 : i32
      %dma_wait3A_236 = tpu.memref_slice %arg10[%dma_wait3A_231, %dma_wait3A_235] : memref<16x128xi32, #tpu.memory_space<vmem>> -> memref<1x128xi32, #tpu.memory_space<vmem>>
      %dma_wait3A_237 = tpu.memref_squeeze %dma_wait3A_236 : memref<1x128xi32, #tpu.memory_space<vmem>> -> memref<128xi32, #tpu.memory_space<vmem>>
      %dma_wait3A_238 = arith.constant 0 : i32
      %dma_wait3A_239 = arith.constant 0 : i32
      %dma_wait3A_240 = tpu.memref_slice %arg12[%dma_wait3A_238, %dma_wait3A_239] : memref<32784x16xf32, #tpu.memory_space<vmem_shared>> -> memref<32784x16xf32, #tpu.memory_space<vmem_shared>>
      tpu.wait_indirect_dma semaphore(%arg13 : memref<!tpu.dma_semaphore, #tpu.memory_space<semaphore_mem>>) src(%dma_wait3A_234 : memref<128x16xf32, #tpu.memory_space<vmem>>) dst(%dma_wait3A_240 : memref<32784x16xf32, #tpu.memory_space<vmem_shared>>)
      %dma_wait3A_241 = arith.constant 5 : i32
      %dma_wait3A_242 = arith.constant 640 : i32
      %dma_wait3A_243 = arith.constant 0 : i32
      %dma_wait3A_244 = tpu.memref_slice %arg6[%dma_wait3A_242, %dma_wait3A_243] : memref<2048x16xf32, #tpu.memory_space<vmem>> -> memref<128x16xf32, #tpu.memory_space<vmem>>
      %dma_wait3A_245 = arith.constant 0 : i32
      %dma_wait3A_246 = tpu.memref_slice %arg10[%dma_wait3A_241, %dma_wait3A_245] : memref<16x128xi32, #tpu.memory_space<vmem>> -> memref<1x128xi32, #tpu.memory_space<vmem>>
      %dma_wait3A_247 = tpu.memref_squeeze %dma_wait3A_246 : memref<1x128xi32, #tpu.memory_space<vmem>> -> memref<128xi32, #tpu.memory_space<vmem>>
      %dma_wait3A_248 = arith.constant 0 : i32
      %dma_wait3A_249 = arith.constant 0 : i32
      %dma_wait3A_250 = tpu.memref_slice %arg12[%dma_wait3A_248, %dma_wait3A_249] : memref<32784x16xf32, #tpu.memory_space<vmem_shared>> -> memref<32784x16xf32, #tpu.memory_space<vmem_shared>>
      tpu.wait_indirect_dma semaphore(%arg13 : memref<!tpu.dma_semaphore, #tpu.memory_space<semaphore_mem>>) src(%dma_wait3A_244 : memref<128x16xf32, #tpu.memory_space<vmem>>) dst(%dma_wait3A_250 : memref<32784x16xf32, #tpu.memory_space<vmem_shared>>)
      %dma_wait3A_251 = arith.constant 6 : i32
      %dma_wait3A_252 = arith.constant 768 : i32
      %dma_wait3A_253 = arith.constant 0 : i32
      %dma_wait3A_254 = tpu.memref_slice %arg6[%dma_wait3A_252, %dma_wait3A_253] : memref<2048x16xf32, #tpu.memory_space<vmem>> -> memref<128x16xf32, #tpu.memory_space<vmem>>
      %dma_wait3A_255 = arith.constant 0 : i32
      %dma_wait3A_256 = tpu.memref_slice %arg10[%dma_wait3A_251, %dma_wait3A_255] : memref<16x128xi32, #tpu.memory_space<vmem>> -> memref<1x128xi32, #tpu.memory_space<vmem>>
      %dma_wait3A_257 = tpu.memref_squeeze %dma_wait3A_256 : memref<1x128xi32, #tpu.memory_space<vmem>> -> memref<128xi32, #tpu.memory_space<vmem>>
      %dma_wait3A_258 = arith.constant 0 : i32
      %dma_wait3A_259 = arith.constant 0 : i32
      %dma_wait3A_260 = tpu.memref_slice %arg12[%dma_wait3A_258, %dma_wait3A_259] : memref<32784x16xf32, #tpu.memory_space<vmem_shared>> -> memref<32784x16xf32, #tpu.memory_space<vmem_shared>>
      tpu.wait_indirect_dma semaphore(%arg13 : memref<!tpu.dma_semaphore, #tpu.memory_space<semaphore_mem>>) src(%dma_wait3A_254 : memref<128x16xf32, #tpu.memory_space<vmem>>) dst(%dma_wait3A_260 : memref<32784x16xf32, #tpu.memory_space<vmem_shared>>)
      %dma_wait3A_261 = arith.constant 7 : i32
      %dma_wait3A_262 = arith.constant 896 : i32
      %dma_wait3A_263 = arith.constant 0 : i32
      %dma_wait3A_264 = tpu.memref_slice %arg6[%dma_wait3A_262, %dma_wait3A_263] : memref<2048x16xf32, #tpu.memory_space<vmem>> -> memref<128x16xf32, #tpu.memory_space<vmem>>
      %dma_wait3A_265 = arith.constant 0 : i32
      %dma_wait3A_266 = tpu.memref_slice %arg10[%dma_wait3A_261, %dma_wait3A_265] : memref<16x128xi32, #tpu.memory_space<vmem>> -> memref<1x128xi32, #tpu.memory_space<vmem>>
      %dma_wait3A_267 = tpu.memref_squeeze %dma_wait3A_266 : memref<1x128xi32, #tpu.memory_space<vmem>> -> memref<128xi32, #tpu.memory_space<vmem>>
      %dma_wait3A_268 = arith.constant 0 : i32
      %dma_wait3A_269 = arith.constant 0 : i32
      %dma_wait3A_270 = tpu.memref_slice %arg12[%dma_wait3A_268, %dma_wait3A_269] : memref<32784x16xf32, #tpu.memory_space<vmem_shared>> -> memref<32784x16xf32, #tpu.memory_space<vmem_shared>>
      tpu.wait_indirect_dma semaphore(%arg13 : memref<!tpu.dma_semaphore, #tpu.memory_space<semaphore_mem>>) src(%dma_wait3A_264 : memref<128x16xf32, #tpu.memory_space<vmem>>) dst(%dma_wait3A_270 : memref<32784x16xf32, #tpu.memory_space<vmem_shared>>)
      %dma_wait3A_271 = arith.constant 8 : i32
      %dma_wait3A_272 = arith.constant 1024 : i32
      %dma_wait3A_273 = arith.constant 0 : i32
      %dma_wait3A_274 = tpu.memref_slice %arg6[%dma_wait3A_272, %dma_wait3A_273] : memref<2048x16xf32, #tpu.memory_space<vmem>> -> memref<128x16xf32, #tpu.memory_space<vmem>>
      %dma_wait3A_275 = arith.constant 0 : i32
      %dma_wait3A_276 = tpu.memref_slice %arg10[%dma_wait3A_271, %dma_wait3A_275] : memref<16x128xi32, #tpu.memory_space<vmem>> -> memref<1x128xi32, #tpu.memory_space<vmem>>
      %dma_wait3A_277 = tpu.memref_squeeze %dma_wait3A_276 : memref<1x128xi32, #tpu.memory_space<vmem>> -> memref<128xi32, #tpu.memory_space<vmem>>
      %dma_wait3A_278 = arith.constant 0 : i32
      %dma_wait3A_279 = arith.constant 0 : i32
      %dma_wait3A_280 = tpu.memref_slice %arg12[%dma_wait3A_278, %dma_wait3A_279] : memref<32784x16xf32, #tpu.memory_space<vmem_shared>> -> memref<32784x16xf32, #tpu.memory_space<vmem_shared>>
      tpu.wait_indirect_dma semaphore(%arg13 : memref<!tpu.dma_semaphore, #tpu.memory_space<semaphore_mem>>) src(%dma_wait3A_274 : memref<128x16xf32, #tpu.memory_space<vmem>>) dst(%dma_wait3A_280 : memref<32784x16xf32, #tpu.memory_space<vmem_shared>>)
      %dma_wait3A_281 = arith.constant 9 : i32
      %dma_wait3A_282 = arith.constant 1152 : i32
      %dma_wait3A_283 = arith.constant 0 : i32
      %dma_wait3A_284 = tpu.memref_slice %arg6[%dma_wait3A_282, %dma_wait3A_283] : memref<2048x16xf32, #tpu.memory_space<vmem>> -> memref<128x16xf32, #tpu.memory_space<vmem>>
      %dma_wait3A_285 = arith.constant 0 : i32
      %dma_wait3A_286 = tpu.memref_slice %arg10[%dma_wait3A_281, %dma_wait3A_285] : memref<16x128xi32, #tpu.memory_space<vmem>> -> memref<1x128xi32, #tpu.memory_space<vmem>>
      %dma_wait3A_287 = tpu.memref_squeeze %dma_wait3A_286 : memref<1x128xi32, #tpu.memory_space<vmem>> -> memref<128xi32, #tpu.memory_space<vmem>>
      %dma_wait3A_288 = arith.constant 0 : i32
      %dma_wait3A_289 = arith.constant 0 : i32
      %dma_wait3A_290 = tpu.memref_slice %arg12[%dma_wait3A_288, %dma_wait3A_289] : memref<32784x16xf32, #tpu.memory_space<vmem_shared>> -> memref<32784x16xf32, #tpu.memory_space<vmem_shared>>
      tpu.wait_indirect_dma semaphore(%arg13 : memref<!tpu.dma_semaphore, #tpu.memory_space<semaphore_mem>>) src(%dma_wait3A_284 : memref<128x16xf32, #tpu.memory_space<vmem>>) dst(%dma_wait3A_290 : memref<32784x16xf32, #tpu.memory_space<vmem_shared>>)
      %dma_wait3A_291 = arith.constant 10 : i32
      %dma_wait3A_292 = arith.constant 1280 : i32
      %dma_wait3A_293 = arith.constant 0 : i32
      %dma_wait3A_294 = tpu.memref_slice %arg6[%dma_wait3A_292, %dma_wait3A_293] : memref<2048x16xf32, #tpu.memory_space<vmem>> -> memref<128x16xf32, #tpu.memory_space<vmem>>
      %dma_wait3A_295 = arith.constant 0 : i32
      %dma_wait3A_296 = tpu.memref_slice %arg10[%dma_wait3A_291, %dma_wait3A_295] : memref<16x128xi32, #tpu.memory_space<vmem>> -> memref<1x128xi32, #tpu.memory_space<vmem>>
      %dma_wait3A_297 = tpu.memref_squeeze %dma_wait3A_296 : memref<1x128xi32, #tpu.memory_space<vmem>> -> memref<128xi32, #tpu.memory_space<vmem>>
      %dma_wait3A_298 = arith.constant 0 : i32
      %dma_wait3A_299 = arith.constant 0 : i32
      %dma_wait3A_300 = tpu.memref_slice %arg12[%dma_wait3A_298, %dma_wait3A_299] : memref<32784x16xf32, #tpu.memory_space<vmem_shared>> -> memref<32784x16xf32, #tpu.memory_space<vmem_shared>>
      tpu.wait_indirect_dma semaphore(%arg13 : memref<!tpu.dma_semaphore, #tpu.memory_space<semaphore_mem>>) src(%dma_wait3A_294 : memref<128x16xf32, #tpu.memory_space<vmem>>) dst(%dma_wait3A_300 : memref<32784x16xf32, #tpu.memory_space<vmem_shared>>)
      %dma_wait3A_301 = arith.constant 11 : i32
      %dma_wait3A_302 = arith.constant 1408 : i32
      %dma_wait3A_303 = arith.constant 0 : i32
      %dma_wait3A_304 = tpu.memref_slice %arg6[%dma_wait3A_302, %dma_wait3A_303] : memref<2048x16xf32, #tpu.memory_space<vmem>> -> memref<128x16xf32, #tpu.memory_space<vmem>>
      %dma_wait3A_305 = arith.constant 0 : i32
      %dma_wait3A_306 = tpu.memref_slice %arg10[%dma_wait3A_301, %dma_wait3A_305] : memref<16x128xi32, #tpu.memory_space<vmem>> -> memref<1x128xi32, #tpu.memory_space<vmem>>
      %dma_wait3A_307 = tpu.memref_squeeze %dma_wait3A_306 : memref<1x128xi32, #tpu.memory_space<vmem>> -> memref<128xi32, #tpu.memory_space<vmem>>
      %dma_wait3A_308 = arith.constant 0 : i32
      %dma_wait3A_309 = arith.constant 0 : i32
      %dma_wait3A_310 = tpu.memref_slice %arg12[%dma_wait3A_308, %dma_wait3A_309] : memref<32784x16xf32, #tpu.memory_space<vmem_shared>> -> memref<32784x16xf32, #tpu.memory_space<vmem_shared>>
      tpu.wait_indirect_dma semaphore(%arg13 : memref<!tpu.dma_semaphore, #tpu.memory_space<semaphore_mem>>) src(%dma_wait3A_304 : memref<128x16xf32, #tpu.memory_space<vmem>>) dst(%dma_wait3A_310 : memref<32784x16xf32, #tpu.memory_space<vmem_shared>>)
      %dma_wait3A_311 = arith.constant 12 : i32
      %dma_wait3A_312 = arith.constant 1536 : i32
      %dma_wait3A_313 = arith.constant 0 : i32
      %dma_wait3A_314 = tpu.memref_slice %arg6[%dma_wait3A_312, %dma_wait3A_313] : memref<2048x16xf32, #tpu.memory_space<vmem>> -> memref<128x16xf32, #tpu.memory_space<vmem>>
      %dma_wait3A_315 = arith.constant 0 : i32
      %dma_wait3A_316 = tpu.memref_slice %arg10[%dma_wait3A_311, %dma_wait3A_315] : memref<16x128xi32, #tpu.memory_space<vmem>> -> memref<1x128xi32, #tpu.memory_space<vmem>>
      %dma_wait3A_317 = tpu.memref_squeeze %dma_wait3A_316 : memref<1x128xi32, #tpu.memory_space<vmem>> -> memref<128xi32, #tpu.memory_space<vmem>>
      %dma_wait3A_318 = arith.constant 0 : i32
      %dma_wait3A_319 = arith.constant 0 : i32
      %dma_wait3A_320 = tpu.memref_slice %arg12[%dma_wait3A_318, %dma_wait3A_319] : memref<32784x16xf32, #tpu.memory_space<vmem_shared>> -> memref<32784x16xf32, #tpu.memory_space<vmem_shared>>
      tpu.wait_indirect_dma semaphore(%arg13 : memref<!tpu.dma_semaphore, #tpu.memory_space<semaphore_mem>>) src(%dma_wait3A_314 : memref<128x16xf32, #tpu.memory_space<vmem>>) dst(%dma_wait3A_320 : memref<32784x16xf32, #tpu.memory_space<vmem_shared>>)
      %dma_wait3A_321 = arith.constant 13 : i32
      %dma_wait3A_322 = arith.constant 1664 : i32
      %dma_wait3A_323 = arith.constant 0 : i32
      %dma_wait3A_324 = tpu.memref_slice %arg6[%dma_wait3A_322, %dma_wait3A_323] : memref<2048x16xf32, #tpu.memory_space<vmem>> -> memref<128x16xf32, #tpu.memory_space<vmem>>
      %dma_wait3A_325 = arith.constant 0 : i32
      %dma_wait3A_326 = tpu.memref_slice %arg10[%dma_wait3A_321, %dma_wait3A_325] : memref<16x128xi32, #tpu.memory_space<vmem>> -> memref<1x128xi32, #tpu.memory_space<vmem>>
      %dma_wait3A_327 = tpu.memref_squeeze %dma_wait3A_326 : memref<1x128xi32, #tpu.memory_space<vmem>> -> memref<128xi32, #tpu.memory_space<vmem>>
      %dma_wait3A_328 = arith.constant 0 : i32
      %dma_wait3A_329 = arith.constant 0 : i32
      %dma_wait3A_330 = tpu.memref_slice %arg12[%dma_wait3A_328, %dma_wait3A_329] : memref<32784x16xf32, #tpu.memory_space<vmem_shared>> -> memref<32784x16xf32, #tpu.memory_space<vmem_shared>>
      tpu.wait_indirect_dma semaphore(%arg13 : memref<!tpu.dma_semaphore, #tpu.memory_space<semaphore_mem>>) src(%dma_wait3A_324 : memref<128x16xf32, #tpu.memory_space<vmem>>) dst(%dma_wait3A_330 : memref<32784x16xf32, #tpu.memory_space<vmem_shared>>)
      %dma_wait3A_331 = arith.constant 14 : i32
      %dma_wait3A_332 = arith.constant 1792 : i32
      %dma_wait3A_333 = arith.constant 0 : i32
      %dma_wait3A_334 = tpu.memref_slice %arg6[%dma_wait3A_332, %dma_wait3A_333] : memref<2048x16xf32, #tpu.memory_space<vmem>> -> memref<128x16xf32, #tpu.memory_space<vmem>>
      %dma_wait3A_335 = arith.constant 0 : i32
      %dma_wait3A_336 = tpu.memref_slice %arg10[%dma_wait3A_331, %dma_wait3A_335] : memref<16x128xi32, #tpu.memory_space<vmem>> -> memref<1x128xi32, #tpu.memory_space<vmem>>
      %dma_wait3A_337 = tpu.memref_squeeze %dma_wait3A_336 : memref<1x128xi32, #tpu.memory_space<vmem>> -> memref<128xi32, #tpu.memory_space<vmem>>
      %dma_wait3A_338 = arith.constant 0 : i32
      %dma_wait3A_339 = arith.constant 0 : i32
      %dma_wait3A_340 = tpu.memref_slice %arg12[%dma_wait3A_338, %dma_wait3A_339] : memref<32784x16xf32, #tpu.memory_space<vmem_shared>> -> memref<32784x16xf32, #tpu.memory_space<vmem_shared>>
      tpu.wait_indirect_dma semaphore(%arg13 : memref<!tpu.dma_semaphore, #tpu.memory_space<semaphore_mem>>) src(%dma_wait3A_334 : memref<128x16xf32, #tpu.memory_space<vmem>>) dst(%dma_wait3A_340 : memref<32784x16xf32, #tpu.memory_space<vmem_shared>>)
      %dma_wait3A_341 = arith.constant 15 : i32
      %dma_wait3A_342 = arith.constant 1920 : i32
      %dma_wait3A_343 = arith.constant 0 : i32
      %dma_wait3A_344 = tpu.memref_slice %arg6[%dma_wait3A_342, %dma_wait3A_343] : memref<2048x16xf32, #tpu.memory_space<vmem>> -> memref<128x16xf32, #tpu.memory_space<vmem>>
      %dma_wait3A_345 = arith.constant 0 : i32
      %dma_wait3A_346 = tpu.memref_slice %arg10[%dma_wait3A_341, %dma_wait3A_345] : memref<16x128xi32, #tpu.memory_space<vmem>> -> memref<1x128xi32, #tpu.memory_space<vmem>>
      %dma_wait3A_347 = tpu.memref_squeeze %dma_wait3A_346 : memref<1x128xi32, #tpu.memory_space<vmem>> -> memref<128xi32, #tpu.memory_space<vmem>>
      %dma_wait3A_348 = arith.constant 0 : i32
      %dma_wait3A_349 = arith.constant 0 : i32
      %dma_wait3A_350 = tpu.memref_slice %arg12[%dma_wait3A_348, %dma_wait3A_349] : memref<32784x16xf32, #tpu.memory_space<vmem_shared>> -> memref<32784x16xf32, #tpu.memory_space<vmem_shared>>
      tpu.wait_indirect_dma semaphore(%arg13 : memref<!tpu.dma_semaphore, #tpu.memory_space<semaphore_mem>>) src(%dma_wait3A_344 : memref<128x16xf32, #tpu.memory_space<vmem>>) dst(%dma_wait3A_350 : memref<32784x16xf32, #tpu.memory_space<vmem_shared>>)
      %barrier3A_351 = arith.constant 0 : index
      tpu.barrier barrier_id(%barrier3A_351)
      %mul3A_352 = arith.constant 2048 : i32
      %mul3A_353 = arith.muli %arg1, %mul3A_352 : i32
      %mul3A_354 = arith.constant 32768 : i32
      %mul3A_355 = arith.muli %add3A_24, %mul3A_354 : i32
      %mul3A_356 = arith.constant 2048 : i32
      %mul3A_357 = arith.muli %arg1, %mul3A_356 : i32
      %add3A_358 = arith.addi %mul3A_355, %mul3A_357 : i32
      "tpu.region"() ({
        %run_scoped3A_360 = tpu.sem_alloc : memref<!tpu.dma_semaphore, #tpu.memory_space<semaphore_mem>>
        %dma_start3A_361 = arith.constant 0 : i32
        %dma_start3A_362 = tpu.memref_slice %arg5[%add3A_358, %dma_start3A_361] : memref<1048576x16xf32, #tpu.memory_space<hbm>> -> memref<2048x16xf32, #tpu.memory_space<hbm>>
        %dma_start3A_363 = arith.constant 0 : i32
        %dma_start3A_364 = tpu.memref_slice %arg12[%mul3A_353, %dma_start3A_363] : memref<32784x16xf32, #tpu.memory_space<vmem_shared>> -> memref<2048x16xf32, #tpu.memory_space<vmem_shared>>
        tpu.enqueue_dma source(%dma_start3A_364 : memref<2048x16xf32, #tpu.memory_space<vmem_shared>>) target(%dma_start3A_362 : memref<2048x16xf32, #tpu.memory_space<hbm>>) target_semaphore(%run_scoped3A_360 : memref<!tpu.dma_semaphore, #tpu.memory_space<semaphore_mem>>)
        %dma_wait3A_365 = arith.constant 0 : i32
        %dma_wait3A_366 = tpu.memref_slice %arg5[%add3A_358, %dma_wait3A_365] : memref<1048576x16xf32, #tpu.memory_space<hbm>> -> memref<2048x16xf32, #tpu.memory_space<hbm>>
        %dma_wait3A_367 = arith.constant 0 : i32
        %dma_wait3A_368 = tpu.memref_slice %arg12[%mul3A_353, %dma_wait3A_367] : memref<32784x16xf32, #tpu.memory_space<vmem_shared>> -> memref<2048x16xf32, #tpu.memory_space<vmem_shared>>
        tpu.wait_dma2 semaphore(%run_scoped3A_360 : memref<!tpu.dma_semaphore, #tpu.memory_space<semaphore_mem>>) src(%dma_wait3A_368 : memref<2048x16xf32, #tpu.memory_space<vmem_shared>>) dst(%dma_wait3A_366 : memref<2048x16xf32, #tpu.memory_space<hbm>>)
        tpu.yield
      }) : () -> ()
      %barrier3A_359 = arith.constant 0 : index
      tpu.barrier barrier_id(%barrier3A_359)
    }
    %scan3A_20 = arith.constant 16 : i32
    return
  }
}

module attributes {stable_mosaic.version = 14 : i64} {
  func.func @_a1_body(%arg0: memref<1024x128xf32, #tpu.memory_space<vmem>>, %arg1: memref<1024x1xi32, #tpu.memory_space<vmem>>, %arg2: memref<3x128x64xf32, #tpu.memory_space<vmem>>, %arg3: memref<64x16xf32, #tpu.memory_space<vmem>>, %arg4: memref<1024x16xf32, #tpu.memory_space<vmem>>) attributes {dimension_semantics = [], scalar_prefetch = 0 : i64, scratch_operands = 0 : i64, tpu.core_type = #tpu.core_type<tc>} {
    %get3A = arith.constant 0 : index
    %get3A_0 = arith.constant 0 : index
    %get3A_1 = vector.load %arg0[%get3A, %get3A_0] : memref<1024x128xf32, #tpu.memory_space<vmem>>, vector<1024x128xf32>
    %get3A_2 = arith.constant 0 : index
    %get3A_3 = arith.constant 0 : index
    %get3A_4 = vector.load %arg1[%get3A_2, %get3A_3] : memref<1024x1xi32, #tpu.memory_space<vmem>>, vector<1024x1xi32>
    %broadcast_in_dim3A = arith.constant 0.000000e+00 : f32
    %broadcast_in_dim3A_5 = vector.broadcast %broadcast_in_dim3A : f32 to vector<1024x64xf32>
    %get3A_6 = arith.constant 0 : index
    %get3A_7 = arith.constant 0 : index
    %get3A_8 = arith.constant 0 : index
    %get3A_9 = vector.load %arg2[%get3A_6, %get3A_7, %get3A_8] : memref<3x128x64xf32, #tpu.memory_space<vmem>>, vector<1x128x64xf32>
    %get3A_10 = vector.shape_cast %get3A_9 : vector<1x128x64xf32> to vector<128x64xf32>
    %dot_general3A = arith.constant dense<0.000000e+00> : vector<1024x64xf32>
    %dot_general3A_11 = tpu.matmul %get3A_1, %get3A_10, %dot_general3A {dimension_numbers = #tpu.dot_dimension_numbers<[1], [0], [0], [1], [0, 0, 1, 1], [], []>, transpose_lhs_hint = false} : vector<1024x128xf32>, vector<128x64xf32>, vector<1024x64xf32> -> vector<1024x64xf32>
    %eq3A = arith.constant 0 : i32
    %eq3A_12 = vector.broadcast %eq3A : i32 to vector<1024x1xi32>
    %eq3A_13 = arith.cmpi eq, %get3A_4, %eq3A_12 : vector<1024x1xi32>
    %broadcast_in_dim3A_14 = vector.shape_cast %eq3A_13 : vector<1024x1xi1> to vector<1024x1xi1>
    %broadcast_in_dim3A_15 = vector.broadcast %broadcast_in_dim3A_14 : vector<1024x1xi1> to vector<1024x64xi1>
    %select_n3A = arith.select %broadcast_in_dim3A_15, %dot_general3A_11, %broadcast_in_dim3A_5 : vector<1024x64xi1>, vector<1024x64xf32>
    %get3A_16 = arith.constant 1 : index
    %get3A_17 = arith.constant 0 : index
    %get3A_18 = arith.constant 0 : index
    %get3A_19 = vector.load %arg2[%get3A_16, %get3A_17, %get3A_18] : memref<3x128x64xf32, #tpu.memory_space<vmem>>, vector<1x128x64xf32>
    %get3A_20 = vector.shape_cast %get3A_19 : vector<1x128x64xf32> to vector<128x64xf32>
    %dot_general3A_21 = arith.constant dense<0.000000e+00> : vector<1024x64xf32>
    %dot_general3A_22 = tpu.matmul %get3A_1, %get3A_20, %dot_general3A_21 {dimension_numbers = #tpu.dot_dimension_numbers<[1], [0], [0], [1], [0, 0, 1, 1], [], []>, transpose_lhs_hint = false} : vector<1024x128xf32>, vector<128x64xf32>, vector<1024x64xf32> -> vector<1024x64xf32>
    %eq3A_23 = arith.constant 1 : i32
    %eq3A_24 = vector.broadcast %eq3A_23 : i32 to vector<1024x1xi32>
    %eq3A_25 = arith.cmpi eq, %get3A_4, %eq3A_24 : vector<1024x1xi32>
    %broadcast_in_dim3A_26 = vector.shape_cast %eq3A_25 : vector<1024x1xi1> to vector<1024x1xi1>
    %broadcast_in_dim3A_27 = vector.broadcast %broadcast_in_dim3A_26 : vector<1024x1xi1> to vector<1024x64xi1>
    %select_n3A_28 = arith.select %broadcast_in_dim3A_27, %dot_general3A_22, %select_n3A : vector<1024x64xi1>, vector<1024x64xf32>
    %get3A_29 = arith.constant 2 : index
    %get3A_30 = arith.constant 0 : index
    %get3A_31 = arith.constant 0 : index
    %get3A_32 = vector.load %arg2[%get3A_29, %get3A_30, %get3A_31] : memref<3x128x64xf32, #tpu.memory_space<vmem>>, vector<1x128x64xf32>
    %get3A_33 = vector.shape_cast %get3A_32 : vector<1x128x64xf32> to vector<128x64xf32>
    %dot_general3A_34 = arith.constant dense<0.000000e+00> : vector<1024x64xf32>
    %dot_general3A_35 = tpu.matmul %get3A_1, %get3A_33, %dot_general3A_34 {dimension_numbers = #tpu.dot_dimension_numbers<[1], [0], [0], [1], [0, 0, 1, 1], [], []>, transpose_lhs_hint = false} : vector<1024x128xf32>, vector<128x64xf32>, vector<1024x64xf32> -> vector<1024x64xf32>
    %eq3A_36 = arith.constant 2 : i32
    %eq3A_37 = vector.broadcast %eq3A_36 : i32 to vector<1024x1xi32>
    %eq3A_38 = arith.cmpi eq, %get3A_4, %eq3A_37 : vector<1024x1xi32>
    %broadcast_in_dim3A_39 = vector.shape_cast %eq3A_38 : vector<1024x1xi1> to vector<1024x1xi1>
    %broadcast_in_dim3A_40 = vector.broadcast %broadcast_in_dim3A_39 : vector<1024x1xi1> to vector<1024x64xi1>
    %select_n3A_41 = arith.select %broadcast_in_dim3A_40, %dot_general3A_35, %select_n3A_28 : vector<1024x64xi1>, vector<1024x64xf32>
    %get3A_42 = arith.constant 0 : index
    %get3A_43 = arith.constant 0 : index
    %get3A_44 = vector.load %arg3[%get3A_42, %get3A_43] : memref<64x16xf32, #tpu.memory_space<vmem>>, vector<64x16xf32>
    %dot_general3A_45 = arith.constant dense<0.000000e+00> : vector<1024x16xf32>
    %dot_general3A_46 = tpu.matmul %select_n3A_41, %get3A_44, %dot_general3A_45 {dimension_numbers = #tpu.dot_dimension_numbers<[1], [0], [0], [1], [0, 0, 1, 1], [], []>, transpose_lhs_hint = false} : vector<1024x64xf32>, vector<64x16xf32>, vector<1024x16xf32> -> vector<1024x16xf32>
    %swap3A = arith.constant 0 : index
    %swap3A_47 = arith.constant 0 : index
    %swap3A_48 = vector.load %arg4[%swap3A, %swap3A_47] : memref<1024x16xf32, #tpu.memory_space<vmem>>, vector<1024x16xf32>
    tpu.vector_store %arg4[%swap3A, %swap3A_47], %dot_general3A_46 {strides = array<i32>} : memref<1024x16xf32, #tpu.memory_space<vmem>>, vector<1024x16xf32>,
    return
  }
}

module attributes {stable_mosaic.version = 14 : i64} {
  func.func @_a2_body(%arg0: i32, %arg1: memref<1024x16xf32, #tpu.memory_space<vmem>>, %arg2: memref<1024x8xf32, #tpu.memory_space<vmem>>, %arg3: memref<16x32xf32, #tpu.memory_space<vmem>>, %arg4: memref<8x32xf32, #tpu.memory_space<vmem>>, %arg5: memref<32x4xf32, #tpu.memory_space<vmem>>, %arg6: memref<32x4xf32, #tpu.memory_space<vmem>>, %arg7: memref<32x8xf32, #tpu.memory_space<vmem>>, %arg8: memref<1024x16xf32, #tpu.memory_space<vmem>>) attributes {dimension_semantics = [#tpu.dimension_semantics<arbitrary>], iteration_bounds = array<i64: 32>, scalar_prefetch = 0 : i64, scratch_operands = 0 : i64, tpu.core_type = #tpu.core_type<tc>, window_params = [{transform_indices = @transform_0, window_bounds = array<i64: 1024, 16>}, {transform_indices = @transform_1, window_bounds = array<i64: 1024, 8>}, {pipeline_mode = #tpu.pipeline_mode<synchronous>, transform_indices = @transform_2, window_bounds = array<i64: 16, 32>}, {pipeline_mode = #tpu.pipeline_mode<synchronous>, transform_indices = @transform_3, window_bounds = array<i64: 8, 32>}, {pipeline_mode = #tpu.pipeline_mode<synchronous>, transform_indices = @transform_4, window_bounds = array<i64: 32, 4>}, {pipeline_mode = #tpu.pipeline_mode<synchronous>, transform_indices = @transform_5, window_bounds = array<i64: 32, 4>}, {pipeline_mode = #tpu.pipeline_mode<synchronous>, transform_indices = @transform_6, window_bounds = array<i64: 32, 8>}, {transform_indices = @transform_7, window_bounds = array<i64: 1024, 16>}]} {
    %get3A = arith.constant 0 : index
    %get3A_0 = arith.constant 0 : index
    %get3A_1 = vector.load %arg1[%get3A, %get3A_0] : memref<1024x16xf32, #tpu.memory_space<vmem>>, vector<1024x16xf32>
    %get3A_2 = arith.constant 0 : index
    %get3A_3 = arith.constant 0 : index
    %get3A_4 = vector.load %arg3[%get3A_2, %get3A_3] : memref<16x32xf32, #tpu.memory_space<vmem>>, vector<16x32xf32>
    %dot_general3A = arith.constant dense<0.000000e+00> : vector<1024x32xf32>
    %dot_general3A_5 = tpu.matmul %get3A_1, %get3A_4, %dot_general3A {dimension_numbers = #tpu.dot_dimension_numbers<[1], [0], [0], [1], [0, 0, 1, 1], [], []>, transpose_lhs_hint = false} : vector<1024x16xf32>, vector<16x32xf32>, vector<1024x32xf32> -> vector<1024x32xf32>
    %ge3A = arith.constant 0.000000e+00 : f32
    %ge3A_6 = vector.broadcast %ge3A : f32 to vector<1024x32xf32>
    %ge3A_7 = arith.cmpf oge, %dot_general3A_5, %ge3A_6 : vector<1024x32xf32>
    %mul3A = arith.constant 2.000000e-01 : f32
    %mul3A_8 = vector.broadcast %mul3A : f32 to vector<1024x32xf32>
    %mul3A_9 = arith.mulf %mul3A_8, %dot_general3A_5 : vector<1024x32xf32>
    %select_n3A = arith.select %ge3A_7, %dot_general3A_5, %mul3A_9 : vector<1024x32xi1>, vector<1024x32xf32>
    %get3A_10 = arith.constant 0 : index
    %get3A_11 = arith.constant 0 : index
    %get3A_12 = vector.load %arg2[%get3A_10, %get3A_11] : memref<1024x8xf32, #tpu.memory_space<vmem>>, vector<1024x8xf32>
    %get3A_13 = arith.constant 0 : index
    %get3A_14 = arith.constant 0 : index
    %get3A_15 = vector.load %arg4[%get3A_13, %get3A_14] : memref<8x32xf32, #tpu.memory_space<vmem>>, vector<8x32xf32>
    %dot_general3A_16 = arith.constant dense<0.000000e+00> : vector<1024x32xf32>
    %dot_general3A_17 = tpu.matmul %get3A_12, %get3A_15, %dot_general3A_16 {dimension_numbers = #tpu.dot_dimension_numbers<[1], [0], [0], [1], [0, 0, 1, 1], [], []>, transpose_lhs_hint = false} : vector<1024x8xf32>, vector<8x32xf32>, vector<1024x32xf32> -> vector<1024x32xf32>
    %ge3A_18 = arith.constant 0.000000e+00 : f32
    %ge3A_19 = vector.broadcast %ge3A_18 : f32 to vector<1024x32xf32>
    %ge3A_20 = arith.cmpf oge, %dot_general3A_17, %ge3A_19 : vector<1024x32xf32>
    %mul3A_21 = arith.constant 2.000000e-01 : f32
    %mul3A_22 = vector.broadcast %mul3A_21 : f32 to vector<1024x32xf32>
    %mul3A_23 = arith.mulf %mul3A_22, %dot_general3A_17 : vector<1024x32xf32>
    %select_n3A_24 = arith.select %ge3A_20, %dot_general3A_17, %mul3A_23 : vector<1024x32xi1>, vector<1024x32xf32>
    %get3A_25 = arith.constant 0 : index
    %get3A_26 = arith.constant 0 : index
    %get3A_27 = vector.load %arg5[%get3A_25, %get3A_26] : memref<32x4xf32, #tpu.memory_space<vmem>>, vector<32x4xf32>
    %dot_general3A_28 = arith.constant dense<0.000000e+00> : vector<1024x4xf32>
    %dot_general3A_29 = tpu.matmul %select_n3A, %get3A_27, %dot_general3A_28 {dimension_numbers = #tpu.dot_dimension_numbers<[1], [0], [0], [1], [0, 0, 1, 1], [], []>, transpose_lhs_hint = false} : vector<1024x32xf32>, vector<32x4xf32>, vector<1024x4xf32> -> vector<1024x4xf32>
    %get3A_30 = arith.constant 0 : index
    %get3A_31 = arith.constant 0 : index
    %get3A_32 = vector.load %arg6[%get3A_30, %get3A_31] : memref<32x4xf32, #tpu.memory_space<vmem>>, vector<32x4xf32>
    %dot_general3A_33 = arith.constant dense<0.000000e+00> : vector<1024x4xf32>
    %dot_general3A_34 = tpu.matmul %select_n3A_24, %get3A_32, %dot_general3A_33 {dimension_numbers = #tpu.dot_dimension_numbers<[1], [0], [0], [1], [0, 0, 1, 1], [], []>, transpose_lhs_hint = false} : vector<1024x32xf32>, vector<32x4xf32>, vector<1024x4xf32> -> vector<1024x4xf32>
    %add3A = arith.addf %dot_general3A_29, %dot_general3A_34 : vector<1024x4xf32>
    %get3A_35 = arith.constant 0 : index
    %get3A_36 = arith.constant 0 : index
    %get3A_37 = vector.load %arg7[%get3A_35, %get3A_36] : memref<32x8xf32, #tpu.memory_space<vmem>>, vector<32x8xf32>
    %dot_general3A_38 = arith.constant dense<0.000000e+00> : vector<1024x8xf32>
    %dot_general3A_39 = tpu.matmul %select_n3A, %get3A_37, %dot_general3A_38 {dimension_numbers = #tpu.dot_dimension_numbers<[1], [0], [0], [1], [0, 0, 1, 1], [], []>, transpose_lhs_hint = false} : vector<1024x32xf32>, vector<32x8xf32>, vector<1024x8xf32> -> vector<1024x8xf32>
    %broadcast_in_dim3A = arith.constant 0.000000e+00 : f32
    %broadcast_in_dim3A_40 = vector.broadcast %broadcast_in_dim3A : f32 to vector<1024x4xf32>
    %concatenate3A = tpu.concatenate %add3A, %dot_general3A_39, %broadcast_in_dim3A_40 in 1 : vector<1024x4xf32>, vector<1024x8xf32>, vector<1024x4xf32> -> vector<1024x16xf32>
    %swap3A = arith.constant 0 : index
    %swap3A_41 = arith.constant 0 : index
    %swap3A_42 = vector.load %arg8[%swap3A, %swap3A_41] : memref<1024x16xf32, #tpu.memory_space<vmem>>, vector<1024x16xf32>
    tpu.vector_store %arg8[%swap3A, %swap3A_41], %concatenate3A {strides = array<i32>} : memref<1024x16xf32, #tpu.memory_space<vmem>>, vector<1024x16xf32>,
    return
  }
  func.func @transform_0(%arg0: i32) -> (i32, i32) {
    %c0_i32 = arith.constant 0 : i32
    %c0_i32_0 = arith.constant 0 : i32
    return %arg0, %c0_i32 : i32, i32
  }
  func.func @transform_1(%arg0: i32) -> (i32, i32) {
    %c0_i32 = arith.constant 0 : i32
    %c0_i32_0 = arith.constant 0 : i32
    return %arg0, %c0_i32 : i32, i32
  }
  func.func @transform_2(%arg0: i32) -> (i32, i32) {
    %c0_i32 = arith.constant 0 : i32
    %c0_i32_0 = arith.constant 0 : i32
    %c0_i32_1 = arith.constant 0 : i32
    return %c0_i32, %c0_i32_0 : i32, i32
  }
  func.func @transform_3(%arg0: i32) -> (i32, i32) {
    %c0_i32 = arith.constant 0 : i32
    %c0_i32_0 = arith.constant 0 : i32
    %c0_i32_1 = arith.constant 0 : i32
    return %c0_i32, %c0_i32_0 : i32, i32
  }
  func.func @transform_4(%arg0: i32) -> (i32, i32) {
    %c0_i32 = arith.constant 0 : i32
    %c0_i32_0 = arith.constant 0 : i32
    %c0_i32_1 = arith.constant 0 : i32
    return %c0_i32, %c0_i32_0 : i32, i32
  }
  func.func @transform_5(%arg0: i32) -> (i32, i32) {
    %c0_i32 = arith.constant 0 : i32
    %c0_i32_0 = arith.constant 0 : i32
    %c0_i32_1 = arith.constant 0 : i32
    return %c0_i32, %c0_i32_0 : i32, i32
  }
  func.func @transform_6(%arg0: i32) -> (i32, i32) {
    %c0_i32 = arith.constant 0 : i32
    %c0_i32_0 = arith.constant 0 : i32
    %c0_i32_1 = arith.constant 0 : i32
    return %c0_i32, %c0_i32_0 : i32, i32
  }
  func.func @transform_7(%arg0: i32) -> (i32, i32) {
    %c0_i32 = arith.constant 0 : i32
    %c0_i32_0 = arith.constant 0 : i32
    return %arg0, %c0_i32 : i32, i32
  }
}

module attributes {stable_mosaic.version = 14 : i64} {
  func.func @_c_body(%arg0: i32, %arg1: memref<8192x128xf32, #tpu.memory_space<vmem>>, %arg2: memref<64x4x8xf32, #tpu.memory_space<vmem>>) attributes {dimension_semantics = [#tpu.dimension_semantics<arbitrary>], iteration_bounds = array<i64: 16>, scalar_prefetch = 0 : i64, scratch_operands = 0 : i64, tpu.core_type = #tpu.core_type<tc>, window_params = [{transform_indices = @transform_0, window_bounds = array<i64: 8192, 128>}, {transform_indices = @transform_1, window_bounds = array<i64: 64, 4, 8>}]} {
    %get3A = arith.constant 0 : index
    %get3A_0 = arith.constant 0 : index
    %get3A_1 = vector.load %arg1[%get3A, %get3A_0] : memref<8192x128xf32, #tpu.memory_space<vmem>>, vector<8192x128xf32>
    %transpose3A = tpu.transpose %get3A_1, [1, 0] : vector<8192x128xf32> -> vector<128x8192xf32>
    %reshape3A = vector.shape_cast %transpose3A : vector<128x8192xf32> to vector<8x16x8192xf32>
    %slice3A = vector.extract_strided_slice %reshape3A {offsets = [0, 0, 0], sizes = [8, 1, 8192], strides = [1, 1, 1]} : vector<8x16x8192xf32> to vector<8x1x8192xf32>
    %squeeze3A = vector.shape_cast %slice3A : vector<8x1x8192xf32> to vector<8x8192xf32>
    %reshape3A_2 = vector.shape_cast %squeeze3A : vector<8x8192xf32> to vector<8x64x128xf32>
    %slice3A_3 = vector.extract_strided_slice %reshape3A {offsets = [0, 1, 0], sizes = [8, 1, 8192], strides = [1, 1, 1]} : vector<8x16x8192xf32> to vector<8x1x8192xf32>
    %squeeze3A_4 = vector.shape_cast %slice3A_3 : vector<8x1x8192xf32> to vector<8x8192xf32>
    %reshape3A_5 = vector.shape_cast %squeeze3A_4 : vector<8x8192xf32> to vector<8x64x128xf32>
    %slice3A_6 = vector.extract_strided_slice %reshape3A {offsets = [0, 2, 0], sizes = [8, 1, 8192], strides = [1, 1, 1]} : vector<8x16x8192xf32> to vector<8x1x8192xf32>
    %squeeze3A_7 = vector.shape_cast %slice3A_6 : vector<8x1x8192xf32> to vector<8x8192xf32>
    %reshape3A_8 = vector.shape_cast %squeeze3A_7 : vector<8x8192xf32> to vector<8x64x128xf32>
    %slice3A_9 = vector.extract_strided_slice %reshape3A {offsets = [0, 3, 0], sizes = [8, 1, 8192], strides = [1, 1, 1]} : vector<8x16x8192xf32> to vector<8x1x8192xf32>
    %squeeze3A_10 = vector.shape_cast %slice3A_9 : vector<8x1x8192xf32> to vector<8x8192xf32>
    %reshape3A_11 = vector.shape_cast %squeeze3A_10 : vector<8x8192xf32> to vector<8x64x128xf32>
    %stack3A = vector.shape_cast %reshape3A_2 : vector<8x64x128xf32> to vector<1x8x64x128xf32>
    %stack3A_12 = vector.shape_cast %reshape3A_5 : vector<8x64x128xf32> to vector<1x8x64x128xf32>
    %stack3A_13 = vector.shape_cast %reshape3A_8 : vector<8x64x128xf32> to vector<1x8x64x128xf32>
    %stack3A_14 = vector.shape_cast %reshape3A_11 : vector<8x64x128xf32> to vector<1x8x64x128xf32>
    %stack3A_15 = tpu.concatenate %stack3A, %stack3A_12, %stack3A_13, %stack3A_14 in 0 : vector<1x8x64x128xf32>, vector<1x8x64x128xf32>, vector<1x8x64x128xf32>, vector<1x8x64x128xf32> -> vector<4x8x64x128xf32>
    %eq3A = arith.constant 0.000000e+00 : f32
    %eq3A_16 = vector.broadcast %eq3A : f32 to vector<4x8x64x128xf32>
    %eq3A_17 = arith.cmpf oeq, %stack3A_15, %eq3A_16 : vector<4x8x64x128xf32>
    %jit3A = arith.constant -1.000000e+04 : f32
    %broadcast_in_dim3A = vector.broadcast %jit3A : f32 to vector<4x8x64x128xf32>
    %select_n3A = arith.select %eq3A_17, %broadcast_in_dim3A, %stack3A_15 : vector<4x8x64x128xi1>, vector<4x8x64x128xf32>
    %reduce_max3A = arith.constant dense<0xFF800000> : vector<4x8x64xf32>
    %reduce_max3A_18 = vector.multi_reduction <maximumf>, %select_n3A, %reduce_max3A [3] : vector<4x8x64x128xf32> to vector<4x8x64xf32>
    %reduce_max3A_19 = arith.constant dense<0xFF800000> : vector<4x64xf32>
    %reduce_max3A_20 = vector.multi_reduction <maximumf>, %reduce_max3A_18, %reduce_max3A_19 [1] : vector<4x8x64xf32> to vector<4x64xf32>
    %broadcast_in_dim3A_21 = vector.shape_cast %reduce_max3A_20 : vector<4x64xf32> to vector<4x1x64x1xf32>
    %sub3A = vector.broadcast %broadcast_in_dim3A_21 : vector<4x1x64x1xf32> to vector<4x8x64x128xf32>
    %sub3A_22 = arith.subf %select_n3A, %sub3A : vector<4x8x64x128xf32>
    %exp3A = math.exp %sub3A_22 : vector<4x8x64x128xf32>
    %reduce_sum3A = arith.constant dense<0.000000e+00> : vector<4x8x64xf32>
    %reduce_sum3A_23 = vector.multi_reduction <add>, %exp3A, %reduce_sum3A [3] : vector<4x8x64x128xf32> to vector<4x8x64xf32>
    %reduce_sum3A_24 = arith.constant dense<0.000000e+00> : vector<4x64xf32>
    %reduce_sum3A_25 = vector.multi_reduction <add>, %reduce_sum3A_23, %reduce_sum3A_24 [1] : vector<4x8x64xf32> to vector<4x64xf32>
    %slice3A_26 = vector.extract_strided_slice %reshape3A {offsets = [0, 4, 0], sizes = [8, 1, 8192], strides = [1, 1, 1]} : vector<8x16x8192xf32> to vector<8x1x8192xf32>
    %squeeze3A_27 = vector.shape_cast %slice3A_26 : vector<8x1x8192xf32> to vector<8x8192xf32>
    %reshape3A_28 = vector.shape_cast %squeeze3A_27 : vector<8x8192xf32> to vector<8x64x128xf32>
    %slice3A_29 = vector.extract_strided_slice %reshape3A {offsets = [0, 5, 0], sizes = [8, 1, 8192], strides = [1, 1, 1]} : vector<8x16x8192xf32> to vector<8x1x8192xf32>
    %squeeze3A_30 = vector.shape_cast %slice3A_29 : vector<8x1x8192xf32> to vector<8x8192xf32>
    %reshape3A_31 = vector.shape_cast %squeeze3A_30 : vector<8x8192xf32> to vector<8x64x128xf32>
    %slice3A_32 = vector.extract_strided_slice %reshape3A {offsets = [0, 6, 0], sizes = [8, 1, 8192], strides = [1, 1, 1]} : vector<8x16x8192xf32> to vector<8x1x8192xf32>
    %squeeze3A_33 = vector.shape_cast %slice3A_32 : vector<8x1x8192xf32> to vector<8x8192xf32>
    %reshape3A_34 = vector.shape_cast %squeeze3A_33 : vector<8x8192xf32> to vector<8x64x128xf32>
    %slice3A_35 = vector.extract_strided_slice %reshape3A {offsets = [0, 7, 0], sizes = [8, 1, 8192], strides = [1, 1, 1]} : vector<8x16x8192xf32> to vector<8x1x8192xf32>
    %squeeze3A_36 = vector.shape_cast %slice3A_35 : vector<8x1x8192xf32> to vector<8x8192xf32>
    %reshape3A_37 = vector.shape_cast %squeeze3A_36 : vector<8x8192xf32> to vector<8x64x128xf32>
    %slice3A_38 = vector.extract_strided_slice %reshape3A {offsets = [0, 8, 0], sizes = [8, 1, 8192], strides = [1, 1, 1]} : vector<8x16x8192xf32> to vector<8x1x8192xf32>
    %squeeze3A_39 = vector.shape_cast %slice3A_38 : vector<8x1x8192xf32> to vector<8x8192xf32>
    %reshape3A_40 = vector.shape_cast %squeeze3A_39 : vector<8x8192xf32> to vector<8x64x128xf32>
    %slice3A_41 = vector.extract_strided_slice %reshape3A {offsets = [0, 9, 0], sizes = [8, 1, 8192], strides = [1, 1, 1]} : vector<8x16x8192xf32> to vector<8x1x8192xf32>
    %squeeze3A_42 = vector.shape_cast %slice3A_41 : vector<8x1x8192xf32> to vector<8x8192xf32>
    %reshape3A_43 = vector.shape_cast %squeeze3A_42 : vector<8x8192xf32> to vector<8x64x128xf32>
    %slice3A_44 = vector.extract_strided_slice %reshape3A {offsets = [0, 10, 0], sizes = [8, 1, 8192], strides = [1, 1, 1]} : vector<8x16x8192xf32> to vector<8x1x8192xf32>
    %squeeze3A_45 = vector.shape_cast %slice3A_44 : vector<8x1x8192xf32> to vector<8x8192xf32>
    %reshape3A_46 = vector.shape_cast %squeeze3A_45 : vector<8x8192xf32> to vector<8x64x128xf32>
    %slice3A_47 = vector.extract_strided_slice %reshape3A {offsets = [0, 11, 0], sizes = [8, 1, 8192], strides = [1, 1, 1]} : vector<8x16x8192xf32> to vector<8x1x8192xf32>
    %squeeze3A_48 = vector.shape_cast %slice3A_47 : vector<8x1x8192xf32> to vector<8x8192xf32>
    %reshape3A_49 = vector.shape_cast %squeeze3A_48 : vector<8x8192xf32> to vector<8x64x128xf32>
    %stack3A_50 = vector.shape_cast %reshape3A_28 : vector<8x64x128xf32> to vector<1x8x64x128xf32>
    %stack3A_51 = vector.shape_cast %reshape3A_31 : vector<8x64x128xf32> to vector<1x8x64x128xf32>
    %stack3A_52 = vector.shape_cast %reshape3A_34 : vector<8x64x128xf32> to vector<1x8x64x128xf32>
    %stack3A_53 = vector.shape_cast %reshape3A_37 : vector<8x64x128xf32> to vector<1x8x64x128xf32>
    %stack3A_54 = vector.shape_cast %reshape3A_40 : vector<8x64x128xf32> to vector<1x8x64x128xf32>
    %stack3A_55 = vector.shape_cast %reshape3A_43 : vector<8x64x128xf32> to vector<1x8x64x128xf32>
    %stack3A_56 = vector.shape_cast %reshape3A_46 : vector<8x64x128xf32> to vector<1x8x64x128xf32>
    %stack3A_57 = vector.shape_cast %reshape3A_49 : vector<8x64x128xf32> to vector<1x8x64x128xf32>
    %stack3A_58 = tpu.concatenate %stack3A_50, %stack3A_51, %stack3A_52, %stack3A_53, %stack3A_54, %stack3A_55, %stack3A_56, %stack3A_57 in 0 : vector<1x8x64x128xf32>, vector<1x8x64x128xf32>, vector<1x8x64x128xf32>, vector<1x8x64x128xf32>, vector<1x8x64x128xf32>, vector<1x8x64x128xf32>, vector<1x8x64x128xf32>, vector<1x8x64x128xf32> -> vector<8x8x64x128xf32>
    %slice3A_59 = vector.extract_strided_slice %exp3A {offsets = [0, 0, 0, 0], sizes = [1, 8, 64, 128], strides = [1, 1, 1, 1]} : vector<4x8x64x128xf32> to vector<1x8x64x128xf32>
    %squeeze3A_60 = vector.shape_cast %slice3A_59 : vector<1x8x64x128xf32> to vector<8x64x128xf32>
    %slice3A_61 = vector.extract_strided_slice %stack3A_58 {offsets = [0, 0, 0, 0], sizes = [1, 8, 64, 128], strides = [1, 1, 1, 1]} : vector<8x8x64x128xf32> to vector<1x8x64x128xf32>
    %squeeze3A_62 = vector.shape_cast %slice3A_61 : vector<1x8x64x128xf32> to vector<8x64x128xf32>
    %mul3A = arith.mulf %squeeze3A_60, %squeeze3A_62 : vector<8x64x128xf32>
    %reduce_sum3A_63 = arith.constant dense<0.000000e+00> : vector<8x64xf32>
    %reduce_sum3A_64 = vector.multi_reduction <add>, %mul3A, %reduce_sum3A_63 [2] : vector<8x64x128xf32> to vector<8x64xf32>
    %reduce_sum3A_65 = arith.constant dense<0.000000e+00> : vector<64xf32>
    %reduce_sum3A_66 = vector.multi_reduction <add>, %reduce_sum3A_64, %reduce_sum3A_65 [0] : vector<8x64xf32> to vector<64xf32>
    %slice3A_67 = vector.extract_strided_slice %exp3A {offsets = [0, 0, 0, 0], sizes = [1, 8, 64, 128], strides = [1, 1, 1, 1]} : vector<4x8x64x128xf32> to vector<1x8x64x128xf32>
    %squeeze3A_68 = vector.shape_cast %slice3A_67 : vector<1x8x64x128xf32> to vector<8x64x128xf32>
    %slice3A_69 = vector.extract_strided_slice %stack3A_58 {offsets = [1, 0, 0, 0], sizes = [1, 8, 64, 128], strides = [1, 1, 1, 1]} : vector<8x8x64x128xf32> to vector<1x8x64x128xf32>
    %squeeze3A_70 = vector.shape_cast %slice3A_69 : vector<1x8x64x128xf32> to vector<8x64x128xf32>
    %mul3A_71 = arith.mulf %squeeze3A_68, %squeeze3A_70 : vector<8x64x128xf32>
    %reduce_sum3A_72 = arith.constant dense<0.000000e+00> : vector<8x64xf32>
    %reduce_sum3A_73 = vector.multi_reduction <add>, %mul3A_71, %reduce_sum3A_72 [2] : vector<8x64x128xf32> to vector<8x64xf32>
    %reduce_sum3A_74 = arith.constant dense<0.000000e+00> : vector<64xf32>
    %reduce_sum3A_75 = vector.multi_reduction <add>, %reduce_sum3A_73, %reduce_sum3A_74 [0] : vector<8x64xf32> to vector<64xf32>
    %slice3A_76 = vector.extract_strided_slice %exp3A {offsets = [0, 0, 0, 0], sizes = [1, 8, 64, 128], strides = [1, 1, 1, 1]} : vector<4x8x64x128xf32> to vector<1x8x64x128xf32>
    %squeeze3A_77 = vector.shape_cast %slice3A_76 : vector<1x8x64x128xf32> to vector<8x64x128xf32>
    %slice3A_78 = vector.extract_strided_slice %stack3A_58 {offsets = [2, 0, 0, 0], sizes = [1, 8, 64, 128], strides = [1, 1, 1, 1]} : vector<8x8x64x128xf32> to vector<1x8x64x128xf32>
    %squeeze3A_79 = vector.shape_cast %slice3A_78 : vector<1x8x64x128xf32> to vector<8x64x128xf32>
    %mul3A_80 = arith.mulf %squeeze3A_77, %squeeze3A_79 : vector<8x64x128xf32>
    %reduce_sum3A_81 = arith.constant dense<0.000000e+00> : vector<8x64xf32>
    %reduce_sum3A_82 = vector.multi_reduction <add>, %mul3A_80, %reduce_sum3A_81 [2] : vector<8x64x128xf32> to vector<8x64xf32>
    %reduce_sum3A_83 = arith.constant dense<0.000000e+00> : vector<64xf32>
    %reduce_sum3A_84 = vector.multi_reduction <add>, %reduce_sum3A_82, %reduce_sum3A_83 [0] : vector<8x64xf32> to vector<64xf32>
    %slice3A_85 = vector.extract_strided_slice %exp3A {offsets = [0, 0, 0, 0], sizes = [1, 8, 64, 128], strides = [1, 1, 1, 1]} : vector<4x8x64x128xf32> to vector<1x8x64x128xf32>
    %squeeze3A_86 = vector.shape_cast %slice3A_85 : vector<1x8x64x128xf32> to vector<8x64x128xf32>
    %slice3A_87 = vector.extract_strided_slice %stack3A_58 {offsets = [3, 0, 0, 0], sizes = [1, 8, 64, 128], strides = [1, 1, 1, 1]} : vector<8x8x64x128xf32> to vector<1x8x64x128xf32>
    %squeeze3A_88 = vector.shape_cast %slice3A_87 : vector<1x8x64x128xf32> to vector<8x64x128xf32>
    %mul3A_89 = arith.mulf %squeeze3A_86, %squeeze3A_88 : vector<8x64x128xf32>
    %reduce_sum3A_90 = arith.constant dense<0.000000e+00> : vector<8x64xf32>
    %reduce_sum3A_91 = vector.multi_reduction <add>, %mul3A_89, %reduce_sum3A_90 [2] : vector<8x64x128xf32> to vector<8x64xf32>
    %reduce_sum3A_92 = arith.constant dense<0.000000e+00> : vector<64xf32>
    %reduce_sum3A_93 = vector.multi_reduction <add>, %reduce_sum3A_91, %reduce_sum3A_92 [0] : vector<8x64xf32> to vector<64xf32>
    %slice3A_94 = vector.extract_strided_slice %exp3A {offsets = [0, 0, 0, 0], sizes = [1, 8, 64, 128], strides = [1, 1, 1, 1]} : vector<4x8x64x128xf32> to vector<1x8x64x128xf32>
    %squeeze3A_95 = vector.shape_cast %slice3A_94 : vector<1x8x64x128xf32> to vector<8x64x128xf32>
    %slice3A_96 = vector.extract_strided_slice %stack3A_58 {offsets = [4, 0, 0, 0], sizes = [1, 8, 64, 128], strides = [1, 1, 1, 1]} : vector<8x8x64x128xf32> to vector<1x8x64x128xf32>
    %squeeze3A_97 = vector.shape_cast %slice3A_96 : vector<1x8x64x128xf32> to vector<8x64x128xf32>
    %mul3A_98 = arith.mulf %squeeze3A_95, %squeeze3A_97 : vector<8x64x128xf32>
    %reduce_sum3A_99 = arith.constant dense<0.000000e+00> : vector<8x64xf32>
    %reduce_sum3A_100 = vector.multi_reduction <add>, %mul3A_98, %reduce_sum3A_99 [2] : vector<8x64x128xf32> to vector<8x64xf32>
    %reduce_sum3A_101 = arith.constant dense<0.000000e+00> : vector<64xf32>
    %reduce_sum3A_102 = vector.multi_reduction <add>, %reduce_sum3A_100, %reduce_sum3A_101 [0] : vector<8x64xf32> to vector<64xf32>
    %slice3A_103 = vector.extract_strided_slice %exp3A {offsets = [0, 0, 0, 0], sizes = [1, 8, 64, 128], strides = [1, 1, 1, 1]} : vector<4x8x64x128xf32> to vector<1x8x64x128xf32>
    %squeeze3A_104 = vector.shape_cast %slice3A_103 : vector<1x8x64x128xf32> to vector<8x64x128xf32>
    %slice3A_105 = vector.extract_strided_slice %stack3A_58 {offsets = [5, 0, 0, 0], sizes = [1, 8, 64, 128], strides = [1, 1, 1, 1]} : vector<8x8x64x128xf32> to vector<1x8x64x128xf32>
    %squeeze3A_106 = vector.shape_cast %slice3A_105 : vector<1x8x64x128xf32> to vector<8x64x128xf32>
    %mul3A_107 = arith.mulf %squeeze3A_104, %squeeze3A_106 : vector<8x64x128xf32>
    %reduce_sum3A_108 = arith.constant dense<0.000000e+00> : vector<8x64xf32>
    %reduce_sum3A_109 = vector.multi_reduction <add>, %mul3A_107, %reduce_sum3A_108 [2] : vector<8x64x128xf32> to vector<8x64xf32>
    %reduce_sum3A_110 = arith.constant dense<0.000000e+00> : vector<64xf32>
    %reduce_sum3A_111 = vector.multi_reduction <add>, %reduce_sum3A_109, %reduce_sum3A_110 [0] : vector<8x64xf32> to vector<64xf32>
    %slice3A_112 = vector.extract_strided_slice %exp3A {offsets = [0, 0, 0, 0], sizes = [1, 8, 64, 128], strides = [1, 1, 1, 1]} : vector<4x8x64x128xf32> to vector<1x8x64x128xf32>
    %squeeze3A_113 = vector.shape_cast %slice3A_112 : vector<1x8x64x128xf32> to vector<8x64x128xf32>
    %slice3A_114 = vector.extract_strided_slice %stack3A_58 {offsets = [6, 0, 0, 0], sizes = [1, 8, 64, 128], strides = [1, 1, 1, 1]} : vector<8x8x64x128xf32> to vector<1x8x64x128xf32>
    %squeeze3A_115 = vector.shape_cast %slice3A_114 : vector<1x8x64x128xf32> to vector<8x64x128xf32>
    %mul3A_116 = arith.mulf %squeeze3A_113, %squeeze3A_115 : vector<8x64x128xf32>
    %reduce_sum3A_117 = arith.constant dense<0.000000e+00> : vector<8x64xf32>
    %reduce_sum3A_118 = vector.multi_reduction <add>, %mul3A_116, %reduce_sum3A_117 [2] : vector<8x64x128xf32> to vector<8x64xf32>
    %reduce_sum3A_119 = arith.constant dense<0.000000e+00> : vector<64xf32>
    %reduce_sum3A_120 = vector.multi_reduction <add>, %reduce_sum3A_118, %reduce_sum3A_119 [0] : vector<8x64xf32> to vector<64xf32>
    %slice3A_121 = vector.extract_strided_slice %exp3A {offsets = [0, 0, 0, 0], sizes = [1, 8, 64, 128], strides = [1, 1, 1, 1]} : vector<4x8x64x128xf32> to vector<1x8x64x128xf32>
    %squeeze3A_122 = vector.shape_cast %slice3A_121 : vector<1x8x64x128xf32> to vector<8x64x128xf32>
    %slice3A_123 = vector.extract_strided_slice %stack3A_58 {offsets = [7, 0, 0, 0], sizes = [1, 8, 64, 128], strides = [1, 1, 1, 1]} : vector<8x8x64x128xf32> to vector<1x8x64x128xf32>
    %squeeze3A_124 = vector.shape_cast %slice3A_123 : vector<1x8x64x128xf32> to vector<8x64x128xf32>
    %mul3A_125 = arith.mulf %squeeze3A_122, %squeeze3A_124 : vector<8x64x128xf32>
    %reduce_sum3A_126 = arith.constant dense<0.000000e+00> : vector<8x64xf32>
    %reduce_sum3A_127 = vector.multi_reduction <add>, %mul3A_125, %reduce_sum3A_126 [2] : vector<8x64x128xf32> to vector<8x64xf32>
    %reduce_sum3A_128 = arith.constant dense<0.000000e+00> : vector<64xf32>
    %reduce_sum3A_129 = vector.multi_reduction <add>, %reduce_sum3A_127, %reduce_sum3A_128 [0] : vector<8x64xf32> to vector<64xf32>
    %slice3A_130 = vector.extract_strided_slice %exp3A {offsets = [1, 0, 0, 0], sizes = [1, 8, 64, 128], strides = [1, 1, 1, 1]} : vector<4x8x64x128xf32> to vector<1x8x64x128xf32>
    %squeeze3A_131 = vector.shape_cast %slice3A_130 : vector<1x8x64x128xf32> to vector<8x64x128xf32>
    %slice3A_132 = vector.extract_strided_slice %stack3A_58 {offsets = [0, 0, 0, 0], sizes = [1, 8, 64, 128], strides = [1, 1, 1, 1]} : vector<8x8x64x128xf32> to vector<1x8x64x128xf32>
    %squeeze3A_133 = vector.shape_cast %slice3A_132 : vector<1x8x64x128xf32> to vector<8x64x128xf32>
    %mul3A_134 = arith.mulf %squeeze3A_131, %squeeze3A_133 : vector<8x64x128xf32>
    %reduce_sum3A_135 = arith.constant dense<0.000000e+00> : vector<8x64xf32>
    %reduce_sum3A_136 = vector.multi_reduction <add>, %mul3A_134, %reduce_sum3A_135 [2] : vector<8x64x128xf32> to vector<8x64xf32>
    %reduce_sum3A_137 = arith.constant dense<0.000000e+00> : vector<64xf32>
    %reduce_sum3A_138 = vector.multi_reduction <add>, %reduce_sum3A_136, %reduce_sum3A_137 [0] : vector<8x64xf32> to vector<64xf32>
    %slice3A_139 = vector.extract_strided_slice %exp3A {offsets = [1, 0, 0, 0], sizes = [1, 8, 64, 128], strides = [1, 1, 1, 1]} : vector<4x8x64x128xf32> to vector<1x8x64x128xf32>
    %squeeze3A_140 = vector.shape_cast %slice3A_139 : vector<1x8x64x128xf32> to vector<8x64x128xf32>
    %slice3A_141 = vector.extract_strided_slice %stack3A_58 {offsets = [1, 0, 0, 0], sizes = [1, 8, 64, 128], strides = [1, 1, 1, 1]} : vector<8x8x64x128xf32> to vector<1x8x64x128xf32>
    %squeeze3A_142 = vector.shape_cast %slice3A_141 : vector<1x8x64x128xf32> to vector<8x64x128xf32>
    %mul3A_143 = arith.mulf %squeeze3A_140, %squeeze3A_142 : vector<8x64x128xf32>
    %reduce_sum3A_144 = arith.constant dense<0.000000e+00> : vector<8x64xf32>
    %reduce_sum3A_145 = vector.multi_reduction <add>, %mul3A_143, %reduce_sum3A_144 [2] : vector<8x64x128xf32> to vector<8x64xf32>
    %reduce_sum3A_146 = arith.constant dense<0.000000e+00> : vector<64xf32>
    %reduce_sum3A_147 = vector.multi_reduction <add>, %reduce_sum3A_145, %reduce_sum3A_146 [0] : vector<8x64xf32> to vector<64xf32>
    %slice3A_148 = vector.extract_strided_slice %exp3A {offsets = [1, 0, 0, 0], sizes = [1, 8, 64, 128], strides = [1, 1, 1, 1]} : vector<4x8x64x128xf32> to vector<1x8x64x128xf32>
    %squeeze3A_149 = vector.shape_cast %slice3A_148 : vector<1x8x64x128xf32> to vector<8x64x128xf32>
    %slice3A_150 = vector.extract_strided_slice %stack3A_58 {offsets = [2, 0, 0, 0], sizes = [1, 8, 64, 128], strides = [1, 1, 1, 1]} : vector<8x8x64x128xf32> to vector<1x8x64x128xf32>
    %squeeze3A_151 = vector.shape_cast %slice3A_150 : vector<1x8x64x128xf32> to vector<8x64x128xf32>
    %mul3A_152 = arith.mulf %squeeze3A_149, %squeeze3A_151 : vector<8x64x128xf32>
    %reduce_sum3A_153 = arith.constant dense<0.000000e+00> : vector<8x64xf32>
    %reduce_sum3A_154 = vector.multi_reduction <add>, %mul3A_152, %reduce_sum3A_153 [2] : vector<8x64x128xf32> to vector<8x64xf32>
    %reduce_sum3A_155 = arith.constant dense<0.000000e+00> : vector<64xf32>
    %reduce_sum3A_156 = vector.multi_reduction <add>, %reduce_sum3A_154, %reduce_sum3A_155 [0] : vector<8x64xf32> to vector<64xf32>
    %slice3A_157 = vector.extract_strided_slice %exp3A {offsets = [1, 0, 0, 0], sizes = [1, 8, 64, 128], strides = [1, 1, 1, 1]} : vector<4x8x64x128xf32> to vector<1x8x64x128xf32>
    %squeeze3A_158 = vector.shape_cast %slice3A_157 : vector<1x8x64x128xf32> to vector<8x64x128xf32>
    %slice3A_159 = vector.extract_strided_slice %stack3A_58 {offsets = [3, 0, 0, 0], sizes = [1, 8, 64, 128], strides = [1, 1, 1, 1]} : vector<8x8x64x128xf32> to vector<1x8x64x128xf32>
    %squeeze3A_160 = vector.shape_cast %slice3A_159 : vector<1x8x64x128xf32> to vector<8x64x128xf32>
    %mul3A_161 = arith.mulf %squeeze3A_158, %squeeze3A_160 : vector<8x64x128xf32>
    %reduce_sum3A_162 = arith.constant dense<0.000000e+00> : vector<8x64xf32>
    %reduce_sum3A_163 = vector.multi_reduction <add>, %mul3A_161, %reduce_sum3A_162 [2] : vector<8x64x128xf32> to vector<8x64xf32>
    %reduce_sum3A_164 = arith.constant dense<0.000000e+00> : vector<64xf32>
    %reduce_sum3A_165 = vector.multi_reduction <add>, %reduce_sum3A_163, %reduce_sum3A_164 [0] : vector<8x64xf32> to vector<64xf32>
    %slice3A_166 = vector.extract_strided_slice %exp3A {offsets = [1, 0, 0, 0], sizes = [1, 8, 64, 128], strides = [1, 1, 1, 1]} : vector<4x8x64x128xf32> to vector<1x8x64x128xf32>
    %squeeze3A_167 = vector.shape_cast %slice3A_166 : vector<1x8x64x128xf32> to vector<8x64x128xf32>
    %slice3A_168 = vector.extract_strided_slice %stack3A_58 {offsets = [4, 0, 0, 0], sizes = [1, 8, 64, 128], strides = [1, 1, 1, 1]} : vector<8x8x64x128xf32> to vector<1x8x64x128xf32>
    %squeeze3A_169 = vector.shape_cast %slice3A_168 : vector<1x8x64x128xf32> to vector<8x64x128xf32>
    %mul3A_170 = arith.mulf %squeeze3A_167, %squeeze3A_169 : vector<8x64x128xf32>
    %reduce_sum3A_171 = arith.constant dense<0.000000e+00> : vector<8x64xf32>
    %reduce_sum3A_172 = vector.multi_reduction <add>, %mul3A_170, %reduce_sum3A_171 [2] : vector<8x64x128xf32> to vector<8x64xf32>
    %reduce_sum3A_173 = arith.constant dense<0.000000e+00> : vector<64xf32>
    %reduce_sum3A_174 = vector.multi_reduction <add>, %reduce_sum3A_172, %reduce_sum3A_173 [0] : vector<8x64xf32> to vector<64xf32>
    %slice3A_175 = vector.extract_strided_slice %exp3A {offsets = [1, 0, 0, 0], sizes = [1, 8, 64, 128], strides = [1, 1, 1, 1]} : vector<4x8x64x128xf32> to vector<1x8x64x128xf32>
    %squeeze3A_176 = vector.shape_cast %slice3A_175 : vector<1x8x64x128xf32> to vector<8x64x128xf32>
    %slice3A_177 = vector.extract_strided_slice %stack3A_58 {offsets = [5, 0, 0, 0], sizes = [1, 8, 64, 128], strides = [1, 1, 1, 1]} : vector<8x8x64x128xf32> to vector<1x8x64x128xf32>
    %squeeze3A_178 = vector.shape_cast %slice3A_177 : vector<1x8x64x128xf32> to vector<8x64x128xf32>
    %mul3A_179 = arith.mulf %squeeze3A_176, %squeeze3A_178 : vector<8x64x128xf32>
    %reduce_sum3A_180 = arith.constant dense<0.000000e+00> : vector<8x64xf32>
    %reduce_sum3A_181 = vector.multi_reduction <add>, %mul3A_179, %reduce_sum3A_180 [2] : vector<8x64x128xf32> to vector<8x64xf32>
    %reduce_sum3A_182 = arith.constant dense<0.000000e+00> : vector<64xf32>
    %reduce_sum3A_183 = vector.multi_reduction <add>, %reduce_sum3A_181, %reduce_sum3A_182 [0] : vector<8x64xf32> to vector<64xf32>
    %slice3A_184 = vector.extract_strided_slice %exp3A {offsets = [1, 0, 0, 0], sizes = [1, 8, 64, 128], strides = [1, 1, 1, 1]} : vector<4x8x64x128xf32> to vector<1x8x64x128xf32>
    %squeeze3A_185 = vector.shape_cast %slice3A_184 : vector<1x8x64x128xf32> to vector<8x64x128xf32>
    %slice3A_186 = vector.extract_strided_slice %stack3A_58 {offsets = [6, 0, 0, 0], sizes = [1, 8, 64, 128], strides = [1, 1, 1, 1]} : vector<8x8x64x128xf32> to vector<1x8x64x128xf32>
    %squeeze3A_187 = vector.shape_cast %slice3A_186 : vector<1x8x64x128xf32> to vector<8x64x128xf32>
    %mul3A_188 = arith.mulf %squeeze3A_185, %squeeze3A_187 : vector<8x64x128xf32>
    %reduce_sum3A_189 = arith.constant dense<0.000000e+00> : vector<8x64xf32>
    %reduce_sum3A_190 = vector.multi_reduction <add>, %mul3A_188, %reduce_sum3A_189 [2] : vector<8x64x128xf32> to vector<8x64xf32>
    %reduce_sum3A_191 = arith.constant dense<0.000000e+00> : vector<64xf32>
    %reduce_sum3A_192 = vector.multi_reduction <add>, %reduce_sum3A_190, %reduce_sum3A_191 [0] : vector<8x64xf32> to vector<64xf32>
    %slice3A_193 = vector.extract_strided_slice %exp3A {offsets = [1, 0, 0, 0], sizes = [1, 8, 64, 128], strides = [1, 1, 1, 1]} : vector<4x8x64x128xf32> to vector<1x8x64x128xf32>
    %squeeze3A_194 = vector.shape_cast %slice3A_193 : vector<1x8x64x128xf32> to vector<8x64x128xf32>
    %slice3A_195 = vector.extract_strided_slice %stack3A_58 {offsets = [7, 0, 0, 0], sizes = [1, 8, 64, 128], strides = [1, 1, 1, 1]} : vector<8x8x64x128xf32> to vector<1x8x64x128xf32>
    %squeeze3A_196 = vector.shape_cast %slice3A_195 : vector<1x8x64x128xf32> to vector<8x64x128xf32>
    %mul3A_197 = arith.mulf %squeeze3A_194, %squeeze3A_196 : vector<8x64x128xf32>
    %reduce_sum3A_198 = arith.constant dense<0.000000e+00> : vector<8x64xf32>
    %reduce_sum3A_199 = vector.multi_reduction <add>, %mul3A_197, %reduce_sum3A_198 [2] : vector<8x64x128xf32> to vector<8x64xf32>
    %reduce_sum3A_200 = arith.constant dense<0.000000e+00> : vector<64xf32>
    %reduce_sum3A_201 = vector.multi_reduction <add>, %reduce_sum3A_199, %reduce_sum3A_200 [0] : vector<8x64xf32> to vector<64xf32>
    %slice3A_202 = vector.extract_strided_slice %exp3A {offsets = [2, 0, 0, 0], sizes = [1, 8, 64, 128], strides = [1, 1, 1, 1]} : vector<4x8x64x128xf32> to vector<1x8x64x128xf32>
    %squeeze3A_203 = vector.shape_cast %slice3A_202 : vector<1x8x64x128xf32> to vector<8x64x128xf32>
    %slice3A_204 = vector.extract_strided_slice %stack3A_58 {offsets = [0, 0, 0, 0], sizes = [1, 8, 64, 128], strides = [1, 1, 1, 1]} : vector<8x8x64x128xf32> to vector<1x8x64x128xf32>
    %squeeze3A_205 = vector.shape_cast %slice3A_204 : vector<1x8x64x128xf32> to vector<8x64x128xf32>
    %mul3A_206 = arith.mulf %squeeze3A_203, %squeeze3A_205 : vector<8x64x128xf32>
    %reduce_sum3A_207 = arith.constant dense<0.000000e+00> : vector<8x64xf32>
    %reduce_sum3A_208 = vector.multi_reduction <add>, %mul3A_206, %reduce_sum3A_207 [2] : vector<8x64x128xf32> to vector<8x64xf32>
    %reduce_sum3A_209 = arith.constant dense<0.000000e+00> : vector<64xf32>
    %reduce_sum3A_210 = vector.multi_reduction <add>, %reduce_sum3A_208, %reduce_sum3A_209 [0] : vector<8x64xf32> to vector<64xf32>
    %slice3A_211 = vector.extract_strided_slice %exp3A {offsets = [2, 0, 0, 0], sizes = [1, 8, 64, 128], strides = [1, 1, 1, 1]} : vector<4x8x64x128xf32> to vector<1x8x64x128xf32>
    %squeeze3A_212 = vector.shape_cast %slice3A_211 : vector<1x8x64x128xf32> to vector<8x64x128xf32>
    %slice3A_213 = vector.extract_strided_slice %stack3A_58 {offsets = [1, 0, 0, 0], sizes = [1, 8, 64, 128], strides = [1, 1, 1, 1]} : vector<8x8x64x128xf32> to vector<1x8x64x128xf32>
    %squeeze3A_214 = vector.shape_cast %slice3A_213 : vector<1x8x64x128xf32> to vector<8x64x128xf32>
    %mul3A_215 = arith.mulf %squeeze3A_212, %squeeze3A_214 : vector<8x64x128xf32>
    %reduce_sum3A_216 = arith.constant dense<0.000000e+00> : vector<8x64xf32>
    %reduce_sum3A_217 = vector.multi_reduction <add>, %mul3A_215, %reduce_sum3A_216 [2] : vector<8x64x128xf32> to vector<8x64xf32>
    %reduce_sum3A_218 = arith.constant dense<0.000000e+00> : vector<64xf32>
    %reduce_sum3A_219 = vector.multi_reduction <add>, %reduce_sum3A_217, %reduce_sum3A_218 [0] : vector<8x64xf32> to vector<64xf32>
    %slice3A_220 = vector.extract_strided_slice %exp3A {offsets = [2, 0, 0, 0], sizes = [1, 8, 64, 128], strides = [1, 1, 1, 1]} : vector<4x8x64x128xf32> to vector<1x8x64x128xf32>
    %squeeze3A_221 = vector.shape_cast %slice3A_220 : vector<1x8x64x128xf32> to vector<8x64x128xf32>
    %slice3A_222 = vector.extract_strided_slice %stack3A_58 {offsets = [2, 0, 0, 0], sizes = [1, 8, 64, 128], strides = [1, 1, 1, 1]} : vector<8x8x64x128xf32> to vector<1x8x64x128xf32>
    %squeeze3A_223 = vector.shape_cast %slice3A_222 : vector<1x8x64x128xf32> to vector<8x64x128xf32>
    %mul3A_224 = arith.mulf %squeeze3A_221, %squeeze3A_223 : vector<8x64x128xf32>
    %reduce_sum3A_225 = arith.constant dense<0.000000e+00> : vector<8x64xf32>
    %reduce_sum3A_226 = vector.multi_reduction <add>, %mul3A_224, %reduce_sum3A_225 [2] : vector<8x64x128xf32> to vector<8x64xf32>
    %reduce_sum3A_227 = arith.constant dense<0.000000e+00> : vector<64xf32>
    %reduce_sum3A_228 = vector.multi_reduction <add>, %reduce_sum3A_226, %reduce_sum3A_227 [0] : vector<8x64xf32> to vector<64xf32>
    %slice3A_229 = vector.extract_strided_slice %exp3A {offsets = [2, 0, 0, 0], sizes = [1, 8, 64, 128], strides = [1, 1, 1, 1]} : vector<4x8x64x128xf32> to vector<1x8x64x128xf32>
    %squeeze3A_230 = vector.shape_cast %slice3A_229 : vector<1x8x64x128xf32> to vector<8x64x128xf32>
    %slice3A_231 = vector.extract_strided_slice %stack3A_58 {offsets = [3, 0, 0, 0], sizes = [1, 8, 64, 128], strides = [1, 1, 1, 1]} : vector<8x8x64x128xf32> to vector<1x8x64x128xf32>
    %squeeze3A_232 = vector.shape_cast %slice3A_231 : vector<1x8x64x128xf32> to vector<8x64x128xf32>
    %mul3A_233 = arith.mulf %squeeze3A_230, %squeeze3A_232 : vector<8x64x128xf32>
    %reduce_sum3A_234 = arith.constant dense<0.000000e+00> : vector<8x64xf32>
    %reduce_sum3A_235 = vector.multi_reduction <add>, %mul3A_233, %reduce_sum3A_234 [2] : vector<8x64x128xf32> to vector<8x64xf32>
    %reduce_sum3A_236 = arith.constant dense<0.000000e+00> : vector<64xf32>
    %reduce_sum3A_237 = vector.multi_reduction <add>, %reduce_sum3A_235, %reduce_sum3A_236 [0] : vector<8x64xf32> to vector<64xf32>
    %slice3A_238 = vector.extract_strided_slice %exp3A {offsets = [2, 0, 0, 0], sizes = [1, 8, 64, 128], strides = [1, 1, 1, 1]} : vector<4x8x64x128xf32> to vector<1x8x64x128xf32>
    %squeeze3A_239 = vector.shape_cast %slice3A_238 : vector<1x8x64x128xf32> to vector<8x64x128xf32>
    %slice3A_240 = vector.extract_strided_slice %stack3A_58 {offsets = [4, 0, 0, 0], sizes = [1, 8, 64, 128], strides = [1, 1, 1, 1]} : vector<8x8x64x128xf32> to vector<1x8x64x128xf32>
    %squeeze3A_241 = vector.shape_cast %slice3A_240 : vector<1x8x64x128xf32> to vector<8x64x128xf32>
    %mul3A_242 = arith.mulf %squeeze3A_239, %squeeze3A_241 : vector<8x64x128xf32>
    %reduce_sum3A_243 = arith.constant dense<0.000000e+00> : vector<8x64xf32>
    %reduce_sum3A_244 = vector.multi_reduction <add>, %mul3A_242, %reduce_sum3A_243 [2] : vector<8x64x128xf32> to vector<8x64xf32>
    %reduce_sum3A_245 = arith.constant dense<0.000000e+00> : vector<64xf32>
    %reduce_sum3A_246 = vector.multi_reduction <add>, %reduce_sum3A_244, %reduce_sum3A_245 [0] : vector<8x64xf32> to vector<64xf32>
    %slice3A_247 = vector.extract_strided_slice %exp3A {offsets = [2, 0, 0, 0], sizes = [1, 8, 64, 128], strides = [1, 1, 1, 1]} : vector<4x8x64x128xf32> to vector<1x8x64x128xf32>
    %squeeze3A_248 = vector.shape_cast %slice3A_247 : vector<1x8x64x128xf32> to vector<8x64x128xf32>
    %slice3A_249 = vector.extract_strided_slice %stack3A_58 {offsets = [5, 0, 0, 0], sizes = [1, 8, 64, 128], strides = [1, 1, 1, 1]} : vector<8x8x64x128xf32> to vector<1x8x64x128xf32>
    %squeeze3A_250 = vector.shape_cast %slice3A_249 : vector<1x8x64x128xf32> to vector<8x64x128xf32>
    %mul3A_251 = arith.mulf %squeeze3A_248, %squeeze3A_250 : vector<8x64x128xf32>
    %reduce_sum3A_252 = arith.constant dense<0.000000e+00> : vector<8x64xf32>
    %reduce_sum3A_253 = vector.multi_reduction <add>, %mul3A_251, %reduce_sum3A_252 [2] : vector<8x64x128xf32> to vector<8x64xf32>
    %reduce_sum3A_254 = arith.constant dense<0.000000e+00> : vector<64xf32>
    %reduce_sum3A_255 = vector.multi_reduction <add>, %reduce_sum3A_253, %reduce_sum3A_254 [0] : vector<8x64xf32> to vector<64xf32>
    %slice3A_256 = vector.extract_strided_slice %exp3A {offsets = [2, 0, 0, 0], sizes = [1, 8, 64, 128], strides = [1, 1, 1, 1]} : vector<4x8x64x128xf32> to vector<1x8x64x128xf32>
    %squeeze3A_257 = vector.shape_cast %slice3A_256 : vector<1x8x64x128xf32> to vector<8x64x128xf32>
    %slice3A_258 = vector.extract_strided_slice %stack3A_58 {offsets = [6, 0, 0, 0], sizes = [1, 8, 64, 128], strides = [1, 1, 1, 1]} : vector<8x8x64x128xf32> to vector<1x8x64x128xf32>
    %squeeze3A_259 = vector.shape_cast %slice3A_258 : vector<1x8x64x128xf32> to vector<8x64x128xf32>
    %mul3A_260 = arith.mulf %squeeze3A_257, %squeeze3A_259 : vector<8x64x128xf32>
    %reduce_sum3A_261 = arith.constant dense<0.000000e+00> : vector<8x64xf32>
    %reduce_sum3A_262 = vector.multi_reduction <add>, %mul3A_260, %reduce_sum3A_261 [2] : vector<8x64x128xf32> to vector<8x64xf32>
    %reduce_sum3A_263 = arith.constant dense<0.000000e+00> : vector<64xf32>
    %reduce_sum3A_264 = vector.multi_reduction <add>, %reduce_sum3A_262, %reduce_sum3A_263 [0] : vector<8x64xf32> to vector<64xf32>
    %slice3A_265 = vector.extract_strided_slice %exp3A {offsets = [2, 0, 0, 0], sizes = [1, 8, 64, 128], strides = [1, 1, 1, 1]} : vector<4x8x64x128xf32> to vector<1x8x64x128xf32>
    %squeeze3A_266 = vector.shape_cast %slice3A_265 : vector<1x8x64x128xf32> to vector<8x64x128xf32>
    %slice3A_267 = vector.extract_strided_slice %stack3A_58 {offsets = [7, 0, 0, 0], sizes = [1, 8, 64, 128], strides = [1, 1, 1, 1]} : vector<8x8x64x128xf32> to vector<1x8x64x128xf32>
    %squeeze3A_268 = vector.shape_cast %slice3A_267 : vector<1x8x64x128xf32> to vector<8x64x128xf32>
    %mul3A_269 = arith.mulf %squeeze3A_266, %squeeze3A_268 : vector<8x64x128xf32>
    %reduce_sum3A_270 = arith.constant dense<0.000000e+00> : vector<8x64xf32>
    %reduce_sum3A_271 = vector.multi_reduction <add>, %mul3A_269, %reduce_sum3A_270 [2] : vector<8x64x128xf32> to vector<8x64xf32>
    %reduce_sum3A_272 = arith.constant dense<0.000000e+00> : vector<64xf32>
    %reduce_sum3A_273 = vector.multi_reduction <add>, %reduce_sum3A_271, %reduce_sum3A_272 [0] : vector<8x64xf32> to vector<64xf32>
    %slice3A_274 = vector.extract_strided_slice %exp3A {offsets = [3, 0, 0, 0], sizes = [1, 8, 64, 128], strides = [1, 1, 1, 1]} : vector<4x8x64x128xf32> to vector<1x8x64x128xf32>
    %squeeze3A_275 = vector.shape_cast %slice3A_274 : vector<1x8x64x128xf32> to vector<8x64x128xf32>
    %slice3A_276 = vector.extract_strided_slice %stack3A_58 {offsets = [0, 0, 0, 0], sizes = [1, 8, 64, 128], strides = [1, 1, 1, 1]} : vector<8x8x64x128xf32> to vector<1x8x64x128xf32>
    %squeeze3A_277 = vector.shape_cast %slice3A_276 : vector<1x8x64x128xf32> to vector<8x64x128xf32>
    %mul3A_278 = arith.mulf %squeeze3A_275, %squeeze3A_277 : vector<8x64x128xf32>
    %reduce_sum3A_279 = arith.constant dense<0.000000e+00> : vector<8x64xf32>
    %reduce_sum3A_280 = vector.multi_reduction <add>, %mul3A_278, %reduce_sum3A_279 [2] : vector<8x64x128xf32> to vector<8x64xf32>
    %reduce_sum3A_281 = arith.constant dense<0.000000e+00> : vector<64xf32>
    %reduce_sum3A_282 = vector.multi_reduction <add>, %reduce_sum3A_280, %reduce_sum3A_281 [0] : vector<8x64xf32> to vector<64xf32>
    %slice3A_283 = vector.extract_strided_slice %exp3A {offsets = [3, 0, 0, 0], sizes = [1, 8, 64, 128], strides = [1, 1, 1, 1]} : vector<4x8x64x128xf32> to vector<1x8x64x128xf32>
    %squeeze3A_284 = vector.shape_cast %slice3A_283 : vector<1x8x64x128xf32> to vector<8x64x128xf32>
    %slice3A_285 = vector.extract_strided_slice %stack3A_58 {offsets = [1, 0, 0, 0], sizes = [1, 8, 64, 128], strides = [1, 1, 1, 1]} : vector<8x8x64x128xf32> to vector<1x8x64x128xf32>
    %squeeze3A_286 = vector.shape_cast %slice3A_285 : vector<1x8x64x128xf32> to vector<8x64x128xf32>
    %mul3A_287 = arith.mulf %squeeze3A_284, %squeeze3A_286 : vector<8x64x128xf32>
    %reduce_sum3A_288 = arith.constant dense<0.000000e+00> : vector<8x64xf32>
    %reduce_sum3A_289 = vector.multi_reduction <add>, %mul3A_287, %reduce_sum3A_288 [2] : vector<8x64x128xf32> to vector<8x64xf32>
    %reduce_sum3A_290 = arith.constant dense<0.000000e+00> : vector<64xf32>
    %reduce_sum3A_291 = vector.multi_reduction <add>, %reduce_sum3A_289, %reduce_sum3A_290 [0] : vector<8x64xf32> to vector<64xf32>
    %slice3A_292 = vector.extract_strided_slice %exp3A {offsets = [3, 0, 0, 0], sizes = [1, 8, 64, 128], strides = [1, 1, 1, 1]} : vector<4x8x64x128xf32> to vector<1x8x64x128xf32>
    %squeeze3A_293 = vector.shape_cast %slice3A_292 : vector<1x8x64x128xf32> to vector<8x64x128xf32>
    %slice3A_294 = vector.extract_strided_slice %stack3A_58 {offsets = [2, 0, 0, 0], sizes = [1, 8, 64, 128], strides = [1, 1, 1, 1]} : vector<8x8x64x128xf32> to vector<1x8x64x128xf32>
    %squeeze3A_295 = vector.shape_cast %slice3A_294 : vector<1x8x64x128xf32> to vector<8x64x128xf32>
    %mul3A_296 = arith.mulf %squeeze3A_293, %squeeze3A_295 : vector<8x64x128xf32>
    %reduce_sum3A_297 = arith.constant dense<0.000000e+00> : vector<8x64xf32>
    %reduce_sum3A_298 = vector.multi_reduction <add>, %mul3A_296, %reduce_sum3A_297 [2] : vector<8x64x128xf32> to vector<8x64xf32>
    %reduce_sum3A_299 = arith.constant dense<0.000000e+00> : vector<64xf32>
    %reduce_sum3A_300 = vector.multi_reduction <add>, %reduce_sum3A_298, %reduce_sum3A_299 [0] : vector<8x64xf32> to vector<64xf32>
    %slice3A_301 = vector.extract_strided_slice %exp3A {offsets = [3, 0, 0, 0], sizes = [1, 8, 64, 128], strides = [1, 1, 1, 1]} : vector<4x8x64x128xf32> to vector<1x8x64x128xf32>
    %squeeze3A_302 = vector.shape_cast %slice3A_301 : vector<1x8x64x128xf32> to vector<8x64x128xf32>
    %slice3A_303 = vector.extract_strided_slice %stack3A_58 {offsets = [3, 0, 0, 0], sizes = [1, 8, 64, 128], strides = [1, 1, 1, 1]} : vector<8x8x64x128xf32> to vector<1x8x64x128xf32>
    %squeeze3A_304 = vector.shape_cast %slice3A_303 : vector<1x8x64x128xf32> to vector<8x64x128xf32>
    %mul3A_305 = arith.mulf %squeeze3A_302, %squeeze3A_304 : vector<8x64x128xf32>
    %reduce_sum3A_306 = arith.constant dense<0.000000e+00> : vector<8x64xf32>
    %reduce_sum3A_307 = vector.multi_reduction <add>, %mul3A_305, %reduce_sum3A_306 [2] : vector<8x64x128xf32> to vector<8x64xf32>
    %reduce_sum3A_308 = arith.constant dense<0.000000e+00> : vector<64xf32>
    %reduce_sum3A_309 = vector.multi_reduction <add>, %reduce_sum3A_307, %reduce_sum3A_308 [0] : vector<8x64xf32> to vector<64xf32>
    %slice3A_310 = vector.extract_strided_slice %exp3A {offsets = [3, 0, 0, 0], sizes = [1, 8, 64, 128], strides = [1, 1, 1, 1]} : vector<4x8x64x128xf32> to vector<1x8x64x128xf32>
    %squeeze3A_311 = vector.shape_cast %slice3A_310 : vector<1x8x64x128xf32> to vector<8x64x128xf32>
    %slice3A_312 = vector.extract_strided_slice %stack3A_58 {offsets = [4, 0, 0, 0], sizes = [1, 8, 64, 128], strides = [1, 1, 1, 1]} : vector<8x8x64x128xf32> to vector<1x8x64x128xf32>
    %squeeze3A_313 = vector.shape_cast %slice3A_312 : vector<1x8x64x128xf32> to vector<8x64x128xf32>
    %mul3A_314 = arith.mulf %squeeze3A_311, %squeeze3A_313 : vector<8x64x128xf32>
    %reduce_sum3A_315 = arith.constant dense<0.000000e+00> : vector<8x64xf32>
    %reduce_sum3A_316 = vector.multi_reduction <add>, %mul3A_314, %reduce_sum3A_315 [2] : vector<8x64x128xf32> to vector<8x64xf32>
    %reduce_sum3A_317 = arith.constant dense<0.000000e+00> : vector<64xf32>
    %reduce_sum3A_318 = vector.multi_reduction <add>, %reduce_sum3A_316, %reduce_sum3A_317 [0] : vector<8x64xf32> to vector<64xf32>
    %slice3A_319 = vector.extract_strided_slice %exp3A {offsets = [3, 0, 0, 0], sizes = [1, 8, 64, 128], strides = [1, 1, 1, 1]} : vector<4x8x64x128xf32> to vector<1x8x64x128xf32>
    %squeeze3A_320 = vector.shape_cast %slice3A_319 : vector<1x8x64x128xf32> to vector<8x64x128xf32>
    %slice3A_321 = vector.extract_strided_slice %stack3A_58 {offsets = [5, 0, 0, 0], sizes = [1, 8, 64, 128], strides = [1, 1, 1, 1]} : vector<8x8x64x128xf32> to vector<1x8x64x128xf32>
    %squeeze3A_322 = vector.shape_cast %slice3A_321 : vector<1x8x64x128xf32> to vector<8x64x128xf32>
    %mul3A_323 = arith.mulf %squeeze3A_320, %squeeze3A_322 : vector<8x64x128xf32>
    %reduce_sum3A_324 = arith.constant dense<0.000000e+00> : vector<8x64xf32>
    %reduce_sum3A_325 = vector.multi_reduction <add>, %mul3A_323, %reduce_sum3A_324 [2] : vector<8x64x128xf32> to vector<8x64xf32>
    %reduce_sum3A_326 = arith.constant dense<0.000000e+00> : vector<64xf32>
    %reduce_sum3A_327 = vector.multi_reduction <add>, %reduce_sum3A_325, %reduce_sum3A_326 [0] : vector<8x64xf32> to vector<64xf32>
    %slice3A_328 = vector.extract_strided_slice %exp3A {offsets = [3, 0, 0, 0], sizes = [1, 8, 64, 128], strides = [1, 1, 1, 1]} : vector<4x8x64x128xf32> to vector<1x8x64x128xf32>
    %squeeze3A_329 = vector.shape_cast %slice3A_328 : vector<1x8x64x128xf32> to vector<8x64x128xf32>
    %slice3A_330 = vector.extract_strided_slice %stack3A_58 {offsets = [6, 0, 0, 0], sizes = [1, 8, 64, 128], strides = [1, 1, 1, 1]} : vector<8x8x64x128xf32> to vector<1x8x64x128xf32>
    %squeeze3A_331 = vector.shape_cast %slice3A_330 : vector<1x8x64x128xf32> to vector<8x64x128xf32>
    %mul3A_332 = arith.mulf %squeeze3A_329, %squeeze3A_331 : vector<8x64x128xf32>
    %reduce_sum3A_333 = arith.constant dense<0.000000e+00> : vector<8x64xf32>
    %reduce_sum3A_334 = vector.multi_reduction <add>, %mul3A_332, %reduce_sum3A_333 [2] : vector<8x64x128xf32> to vector<8x64xf32>
    %reduce_sum3A_335 = arith.constant dense<0.000000e+00> : vector<64xf32>
    %reduce_sum3A_336 = vector.multi_reduction <add>, %reduce_sum3A_334, %reduce_sum3A_335 [0] : vector<8x64xf32> to vector<64xf32>
    %slice3A_337 = vector.extract_strided_slice %exp3A {offsets = [3, 0, 0, 0], sizes = [1, 8, 64, 128], strides = [1, 1, 1, 1]} : vector<4x8x64x128xf32> to vector<1x8x64x128xf32>
    %squeeze3A_338 = vector.shape_cast %slice3A_337 : vector<1x8x64x128xf32> to vector<8x64x128xf32>
    %slice3A_339 = vector.extract_strided_slice %stack3A_58 {offsets = [7, 0, 0, 0], sizes = [1, 8, 64, 128], strides = [1, 1, 1, 1]} : vector<8x8x64x128xf32> to vector<1x8x64x128xf32>
    %squeeze3A_340 = vector.shape_cast %slice3A_339 : vector<1x8x64x128xf32> to vector<8x64x128xf32>
    %mul3A_341 = arith.mulf %squeeze3A_338, %squeeze3A_340 : vector<8x64x128xf32>
    %reduce_sum3A_342 = arith.constant dense<0.000000e+00> : vector<8x64xf32>
    %reduce_sum3A_343 = vector.multi_reduction <add>, %mul3A_341, %reduce_sum3A_342 [2] : vector<8x64x128xf32> to vector<8x64xf32>
    %reduce_sum3A_344 = arith.constant dense<0.000000e+00> : vector<64xf32>
    %reduce_sum3A_345 = vector.multi_reduction <add>, %reduce_sum3A_343, %reduce_sum3A_344 [0] : vector<8x64xf32> to vector<64xf32>
    %stack3A_346 = vector.shape_cast %reduce_sum3A_66 : vector<64xf32> to vector<64x1xf32>
    %stack3A_347 = vector.shape_cast %reduce_sum3A_75 : vector<64xf32> to vector<64x1xf32>
    %stack3A_348 = vector.shape_cast %reduce_sum3A_84 : vector<64xf32> to vector<64x1xf32>
    %stack3A_349 = vector.shape_cast %reduce_sum3A_93 : vector<64xf32> to vector<64x1xf32>
    %stack3A_350 = vector.shape_cast %reduce_sum3A_102 : vector<64xf32> to vector<64x1xf32>
    %stack3A_351 = vector.shape_cast %reduce_sum3A_111 : vector<64xf32> to vector<64x1xf32>
    %stack3A_352 = vector.shape_cast %reduce_sum3A_120 : vector<64xf32> to vector<64x1xf32>
    %stack3A_353 = vector.shape_cast %reduce_sum3A_129 : vector<64xf32> to vector<64x1xf32>
    %stack3A_354 = vector.shape_cast %reduce_sum3A_138 : vector<64xf32> to vector<64x1xf32>
    %stack3A_355 = vector.shape_cast %reduce_sum3A_147 : vector<64xf32> to vector<64x1xf32>
    %stack3A_356 = vector.shape_cast %reduce_sum3A_156 : vector<64xf32> to vector<64x1xf32>
    %stack3A_357 = vector.shape_cast %reduce_sum3A_165 : vector<64xf32> to vector<64x1xf32>
    %stack3A_358 = vector.shape_cast %reduce_sum3A_174 : vector<64xf32> to vector<64x1xf32>
    %stack3A_359 = vector.shape_cast %reduce_sum3A_183 : vector<64xf32> to vector<64x1xf32>
    %stack3A_360 = vector.shape_cast %reduce_sum3A_192 : vector<64xf32> to vector<64x1xf32>
    %stack3A_361 = vector.shape_cast %reduce_sum3A_201 : vector<64xf32> to vector<64x1xf32>
    %stack3A_362 = vector.shape_cast %reduce_sum3A_210 : vector<64xf32> to vector<64x1xf32>
    %stack3A_363 = vector.shape_cast %reduce_sum3A_219 : vector<64xf32> to vector<64x1xf32>
    %stack3A_364 = vector.shape_cast %reduce_sum3A_228 : vector<64xf32> to vector<64x1xf32>
    %stack3A_365 = vector.shape_cast %reduce_sum3A_237 : vector<64xf32> to vector<64x1xf32>
    %stack3A_366 = vector.shape_cast %reduce_sum3A_246 : vector<64xf32> to vector<64x1xf32>
    %stack3A_367 = vector.shape_cast %reduce_sum3A_255 : vector<64xf32> to vector<64x1xf32>
    %stack3A_368 = vector.shape_cast %reduce_sum3A_264 : vector<64xf32> to vector<64x1xf32>
    %stack3A_369 = vector.shape_cast %reduce_sum3A_273 : vector<64xf32> to vector<64x1xf32>
    %stack3A_370 = vector.shape_cast %reduce_sum3A_282 : vector<64xf32> to vector<64x1xf32>
    %stack3A_371 = vector.shape_cast %reduce_sum3A_291 : vector<64xf32> to vector<64x1xf32>
    %stack3A_372 = vector.shape_cast %reduce_sum3A_300 : vector<64xf32> to vector<64x1xf32>
    %stack3A_373 = vector.shape_cast %reduce_sum3A_309 : vector<64xf32> to vector<64x1xf32>
    %stack3A_374 = vector.shape_cast %reduce_sum3A_318 : vector<64xf32> to vector<64x1xf32>
    %stack3A_375 = vector.shape_cast %reduce_sum3A_327 : vector<64xf32> to vector<64x1xf32>
    %stack3A_376 = vector.shape_cast %reduce_sum3A_336 : vector<64xf32> to vector<64x1xf32>
    %stack3A_377 = vector.shape_cast %reduce_sum3A_345 : vector<64xf32> to vector<64x1xf32>
    %stack3A_378 = tpu.concatenate %stack3A_346, %stack3A_347, %stack3A_348, %stack3A_349, %stack3A_350, %stack3A_351, %stack3A_352, %stack3A_353, %stack3A_354, %stack3A_355, %stack3A_356, %stack3A_357, %stack3A_358, %stack3A_359, %stack3A_360, %stack3A_361, %stack3A_362, %stack3A_363, %stack3A_364, %stack3A_365, %stack3A_366, %stack3A_367, %stack3A_368, %stack3A_369, %stack3A_370, %stack3A_371, %stack3A_372, %stack3A_373, %stack3A_374, %stack3A_375, %stack3A_376, %stack3A_377 in 1 : vector<64x1xf32>, vector<64x1xf32>, vector<64x1xf32>, vector<64x1xf32>, vector<64x1xf32>, vector<64x1xf32>, vector<64x1xf32>, vector<64x1xf32>, vector<64x1xf32>, vector<64x1xf32>, vector<64x1xf32>, vector<64x1xf32>, vector<64x1xf32>, vector<64x1xf32>, vector<64x1xf32>, vector<64x1xf32>, vector<64x1xf32>, vector<64x1xf32>, vector<64x1xf32>, vector<64x1xf32>, vector<64x1xf32>, vector<64x1xf32>, vector<64x1xf32>, vector<64x1xf32>, vector<64x1xf32>, vector<64x1xf32>, vector<64x1xf32>, vector<64x1xf32>, vector<64x1xf32>, vector<64x1xf32>, vector<64x1xf32>, vector<64x1xf32> -> vector<64x32xf32>
    %reshape3A_379 = vector.shape_cast %stack3A_378 : vector<64x32xf32> to vector<64x4x8xf32>
    %transpose3A_380 = tpu.transpose %reduce_sum3A_25, [1, 0] : vector<4x64xf32> -> vector<64x4xf32>
    %broadcast_in_dim3A_381 = vector.shape_cast %transpose3A_380 : vector<64x4xf32> to vector<64x4x1xf32>
    %div3A = vector.broadcast %broadcast_in_dim3A_381 : vector<64x4x1xf32> to vector<64x4x8xf32>
    %div3A_382 = arith.divf %reshape3A_379, %div3A : vector<64x4x8xf32>
    %swap3A = arith.constant 0 : index
    %swap3A_383 = arith.constant 0 : index
    %swap3A_384 = arith.constant 0 : index
    %swap3A_385 = vector.load %arg2[%swap3A, %swap3A_383, %swap3A_384] : memref<64x4x8xf32, #tpu.memory_space<vmem>>, vector<64x4x8xf32>
    tpu.vector_store %arg2[%swap3A, %swap3A_383, %swap3A_384], %div3A_382 {strides = array<i32>} : memref<64x4x8xf32, #tpu.memory_space<vmem>>, vector<64x4x8xf32>,
    return
  }
  func.func @transform_0(%arg0: i32) -> (i32, i32) {
    %c0_i32 = arith.constant 0 : i32
    %c0_i32_0 = arith.constant 0 : i32
    return %arg0, %c0_i32 : i32, i32
  }
  func.func @transform_1(%arg0: i32) -> (i32, i32, i32) {
    %c0_i32 = arith.constant 0 : i32
    %c0_i32_0 = arith.constant 0 : i32
    %c0_i32_1 = arith.constant 0 : i32
    return %arg0, %c0_i32, %c0_i32_0 : i32, i32, i32
  }
}

</mosaic_0001>

<sc_bundles>
// kernel: kernel.6.cloned.1.call-start
scs
__scs_entry_jumppad:
0x0: {  	(pc) =	sbr.rel $0x88, $3  }
0x1: {  	(tag) =	ssettag $0x0;
	lr =	simm.s32 $0x1  }
0x2: {  	[smem:$0x3F97] =	sst lr;
	_ =	strace $0xD0000000  }
0x3: {  	_ = 	snop  }
0x4: {  	_ = 	snop  }
0x5: {  	_ = 	snop  }
0x6: {  	_ = 	snop  }
0x7: {  	_ = 	snop  }
__scs_overlays_trampoline_lowered:
0x8: {  	[smem:$0x3FA6] =	sst s0  }
0x9: {  	[smem:$0x3FA7] =	sst s1  }
0xa: {  	[smem:$0x3FA8] =	sst s2  }
0xb: {  	[smem:$0x3FA9] =	sst s3  }
0xc: {  	[smem:$0x3FAA] =	sst s4  }
0xd: {  	[smem:$0x3FAB] =	sst s5  }
0xe: {  	[smem:$0x3FAC] =	sst s6  }
0xf: {  	[smem:$0x3FAD] =	sst s7  }
0x10: {  	[smem:$0x3FAE] =	sst s8  }
0x11: {  	[smem:$0x3FAF] =	sst s9;
	s0 =	simm.s32 @!p0 $0x0  }
0x12: {  	s1 =	sld [smem:$0x3F95];
	s0 =	simm.s32 @p0 $0x1  }
0x13: {  	[smem:$0x3FB0] =	sst s0;
	s0 =	simm.s32 @!p1 $0x0  }
0x14: {  	s2 =	sld [smem:$0x3F94];
	s0 =	simm.s32 @p1 $0x1  }
0x15: {  	[smem:$0x3FB1] =	sst s0;
	s0 =	simm.s32 @!p2 $0x0  }
0x16: {  	s3 =	sld [smem:$0x3FDB];
	s0 =	simm.s32 @p2 $0x1  }
0x17: {  	s4 =	simm.s32 $0x1BF5;
	[smem:$0x3FB3] =	sst s0  }
0x18: {  	s0 =	sld [smem:$0x3F96];
	_ =	swait.ge [sflag:s4], $0x0  }
0x19: {  	s7 =	sld [smem:$0x3F97]  }
0x1a: {  	s8 =	sadd.s32 $0xFFFFE003, lr  }
0x1b: {  	s9 =	sadd.s32 $0xFFFFFEF7, lr;
	s5 =	simm.s32 $0xFFFFFFFF;
	p2 =	slt.u32 s8, $0xFFFFF086  }
0x1c: {  	p1 =	slt.u32 s9, $0xF7A;
	s5 =	simm.s32 @!p2 $0x0  }
0x1d: {  	s5 =	simm.s32 @p1 $0x1;
	p0 =	seq.s32 s7, s2  }
0x1e: {  	s7 =	smul.u32 @!p0 $0xF7A, s2;
	p2 =	seq.s32 @!p0 s5, $0x0  }
0x1f: {  	s9 =	smul.u32 $0xF7A, s1;
	s8 =	simm.s32 @!p0 $0x1BF5;
	p2 =	por !p2, p0  }
0x20: {  	[sflag:s8] =	ssyncset.s32 @!p0 $0xFFFFF086;
	s6 =	sadd.s32 @!p0 s3, s7;
	s7 =	simm.s32 @!p0 $0x108  }
0x21: {  	s3 =	sadd.s32 s3, s9;
	s6 =	sadd.s32 @!p0 $0x88, s6;
	s7 =	simm.s32 @p2 $0x1082  }
0x22: {  	[simem:s7], [sflag:s8] =	dma.local @!p0 [hbm:s6], $0xF7A  }
0x23: {  	s9 =	sor.u32 $0xD0000000, s2;
	s6 =	simm.s32 $0x108;
	_ =	swait.ge @!p0 [sflag:s8], $0x0  }
0x24: {  	s3 =	sadd.s32 $0x88, s3;
	s6 =	simm.s32 @!p1 $0x1082;
	[sflag:s4] =	ssyncset.s32 $0xFFFFF086  }
0x25: {  	[simem:s6], [sflag:s4] =	dma.local [hbm:s3], $0xF7A  }
0x26: {  	[smem:$0x3F97] =	sst s1;
	(tag) =	ssettag s2;
	_ =	strace s9  }
0x27: {  	s1 =	sld [smem:$0x3FA7]  }
0x28: {  	s2 =	sld [smem:$0x3FA8]  }
0x29: {  	s4 =	sld [smem:$0x3FAA]  }
0x2a: {  	p0 =	seq.s32 s5, $0x0;
	s5 =	sld [smem:$0x3FAB]  }
0x2b: {  	s6 =	sld [smem:$0x3FAC]  }
0x2c: {  	s7 =	sld [smem:$0x3FAD]  }
0x2d: {  	s3 =	simm.s32 $0x108;
	s8 =	sld [smem:$0x3FAE]  }
0x2e: {  	s3 =	simm.s32 @!p0 $0x1082;
	s9 =	sld [smem:$0x3FAF]  }
0x2f: {  	lr =	sadd.s32 s0, s3;
	s0 =	sld [smem:$0x3FA6]  }
0x30: {  	s3 =	sld [smem:$0x3FA9]  }
0x31: {  	[smem:$0x3FB2] =	sst s10  }
0x32: {  	s10 =	sld [smem:$0x3FB0];
	_ =	sdelay $0x3  }
0x33: {  	p0 =	seq.s32 s10, $0x1;
	s10 =	sld [smem:$0x3FB2];
	_ =	sdelay $0x3  }
0x34: {  	[smem:$0x3FB2] =	sst s10  }
0x35: {  	s10 =	sld [smem:$0x3FB1];
	_ =	sdelay $0x3  }
0x36: {  	p1 =	seq.s32 s10, $0x1;
	s10 =	sld [smem:$0x3FB2];
	_ =	sdelay $0x3  }
0x37: {  	[smem:$0x3FB2] =	sst s10  }
0x38: {  	s10 =	sld [smem:$0x3FB3]  }
0x39: {  	_ = 	snop;
	(pc) =	sbr.ind lr, $3  }
0x3a: {  	_ = 	snop  }
0x3b: {  	_ = 	snop  }
0x3c: {  	p2 =	seq.s32 s10, $0x1;
	s10 =	sld [smem:$0x3FB2]  }
0x3d: {  	_ =	shalt  }
0x3e: {  	_ =	shalt  }
0x3f: {  	_ =	shalt  }
0x40: {  	_ =	shalt  }
0x41: {  	_ =	shalt  }
0x42: {  	_ =	shalt  }
0x43: {  	_ =	shalt  }
0x44: {  	_ =	shalt  }
0x45: {  	_ =	shalt  }
0x46: {  	_ =	shalt  }
0x47: {  	_ =	shalt  }
0x48: {  	_ =	shalt  }
0x49: {  	_ =	shalt  }
0x4a: {  	_ =	shalt  }
0x4b: {  	_ =	shalt  }
0x4c: {  	_ =	shalt  }
0x4d: {  	_ =	shalt  }
0x4e: {  	_ =	shalt  }
0x4f: {  	_ =	shalt  }
0x50: {  	_ =	shalt  }
0x51: {  	_ =	shalt  }
0x52: {  	_ =	shalt  }
0x53: {  	_ =	shalt  }
0x54: {  	_ =	shalt  }
0x55: {  	_ =	shalt  }
0x56: {  	_ =	shalt  }
0x57: {  	_ =	shalt  }
0x58: {  	_ =	shalt  }
0x59: {  	_ =	shalt  }
0x5a: {  	_ =	shalt  }
0x5b: {  	_ =	shalt  }
0x5c: {  	_ =	shalt  }
0x5d: {  	_ =	shalt  }
0x5e: {  	_ =	shalt  }
0x5f: {  	_ =	shalt  }
0x60: {  	_ =	shalt  }
0x61: {  	_ =	shalt  }
0x62: {  	_ =	shalt  }
0x63: {  	_ =	shalt  }
0x64: {  	_ =	shalt  }
0x65: {  	_ =	shalt  }
0x66: {  	_ =	shalt  }
0x67: {  	_ =	shalt  }
0x68: {  	_ =	shalt  }
0x69: {  	_ =	shalt  }
0x6a: {  	_ =	shalt  }
0x6b: {  	_ =	shalt  }
0x6c: {  	_ =	shalt  }
0x6d: {  	_ =	shalt  }
0x6e: {  	_ =	shalt  }
0x6f: {  	_ =	shalt  }
0x70: {  	_ =	shalt  }
0x71: {  	_ =	shalt  }
0x72: {  	_ =	shalt  }
0x73: {  	_ =	shalt  }
0x74: {  	_ =	shalt  }
0x75: {  	_ =	shalt  }
0x76: {  	_ =	shalt  }
0x77: {  	_ =	shalt  }
0x78: {  	_ =	shalt  }
0x79: {  	_ =	shalt  }
0x7a: {  	_ =	shalt  }
0x7b: {  	_ =	shalt  }
0x7c: {  	_ =	shalt  }
0x7d: {  	_ =	shalt  }
0x7e: {  	_ =	shalt  }
0x7f: {  	_ =	shalt  }
0x80: {  	_ =	shalt  }
0x81: {  	_ =	shalt  }
0x82: {  	_ =	shalt  }
0x83: {  	_ =	shalt  }
0x84: {  	_ =	shalt  }
0x85: {  	_ =	shalt  }
0x86: {  	_ =	shalt  }
0x87: {  	_ =	shalt  }
.Lfunc_end0:
.L_simem_size_0:
called_computation_lowered:
.L_overlay_start_0:
0x88: {  	s2 =	sld [smem:$0x3FD9]  }
0x89: {  	s3 =	sld [smem:$0x3FFE];
	_ =	sdelay $0x1  }
0x8a: {  	s1 =	srdreg.scid  }
0x8b: {  	s0 =	sand.u32 $0x1, s1  }
0x8c: {  	s17 =	sshll.u32 s0, $0xA;
	s2 =	sadd.s32 s3, s2  }
0x8d: {  	s2 =	sadd.s32 s2, s17  }
0x8e: {  	[smem:$0x3FBE] =	sst s2  }
0x8f: {  	_ = 	snop  }
0x90: {  	s2 =	sld [smem:$0x3FD0];
	(tm) =	ssettm $0x1  }
0x91: {  	s18 =	sld [smem:$0x3FFB];
	_ =	sdelay $0x3  }
0x92: {  	_ =	strace s18  }
0x93: {  	s3 =	sld [smem:$0x3FFC];
	_ =	sdelay $0x3  }
0x94: {  	_ =	strace s3  }
0x95: {  	s3 =	sld [smem:$0x3FFD];
	_ =	sdelay $0x3  }
0x96: {  	_ =	strace s3  }
0x97: {  	_ =	strace $0x8FFFFFFF  }
0x98: {  	s19 =	sld [smem:$0x3FDB];
	_ =	sdelay $0x1  }
0x99: {  	s4 =	simm.s32 $_scs_section_size  }
0x9a: {  	s5 =	simm.s32 $_size__tile_overlayer_lowered;
	s6 =	simm.s32 $_tile_overlayer_lowered  }
0x9b: {  	s22 =	simm.s32 $0x1BFF;
	s21 =	sshll.u32 s6, $0x1;
	s3 =	sadd.s32 s4, s19  }
0x9c: {  	s7 =	simm.s32 $0x0;
	s20 =	sshll.u32 s5, $0x1;
	s5 =	sadd.s32 s21, s3  }
0x9d: {  	[timem:s7], [sflag:s22] =	dma.local [hbm:s5], s20  }
0x9e: {  	_ =	swait.ge [sflag:s22], s20  }
0x9f: {  	s4 =	ssub.s32 $0x0, s20;
	[sflag:s22] =	ssyncset.done $0x0  }
0xa0: {  	[sflag:s22] =	ssyncadd.s32 s4;
	_ =	sdelay $0x1  }
0xa1: {  	s23 =	simm.s32 $0x1B8B  }
0xa2: {  	_ =	swait.ge [sflag:s23], $0x1  }
0xa3: {  	[sflag:s23] =	ssyncset.done $0x0  }
0xa4: {  	s25 =	simm.s32 $0x1B8E;
	s24 =	sld [smem:$0x3FFE];
	[sflag:s23] =	ssyncadd.s32 $0xFFFFFFFF  }
0xa5: {  	s26 =	simm.s32 $execute0_lowered;
	[smem:$0x3FD2] =	sst s25  }
0xa6: {  	s5 =	sshll.u32 s26, $0x1;
	_ =	strace $0x80000046;
	[dreg:$0x1] =	wrdreg $0xFFFFFFFF  }
0xa7: {  	s28 =	simm.s32 $_size_execute0_lowered;
	s3 =	sadd.s32 s3, s5;
	[dreg:$0x0] =	wrdreg $0x0  }
0xa8: {  	s5 =	sshll.u32 s28, $0x1;
	[dreg:$0x2] =	wrdreg s3  }
0xa9: {  	[dreg:$0x3] =	wrdreg s5  }
0xaa: {  	[dreg:$0x4] =	wrdreg $0xC0  }
0xab: {  	_ =	task [dreg:s7], $0x5FFFF  }
0xac: {  	[dreg:$0x1] =	wrdreg $0xFFFFFFFF  }
0xad: {  	[dreg:$0x0] =	wrdreg $0x60  }
0xae: {  	[dreg:$0x2] =	wrdreg s24  }
0xaf: {  	[dreg:$0x3] =	wrdreg s2  }
0xb0: {  	[dreg:$0x4] =	wrdreg $0x158000  }
0xb1: {  	[dreg:$0x5] =	wrdreg $0x9  }
0xb2: {  	_ =	task.clear_ibuf [dreg:s7], $0x6FFFF;
	_ =	strace $0x90000046  }
0xb3: {  	s29 =	simm.s32 $0x9;
	_ =	strace $0x80000048  }
0xb4: {  	_ =	swait.ge [sflag:s29], $0x1  }
0xb5: {  	[sflag:s29] =	ssyncadd.s32 $0xFFFFFFFF  }
0xb6: {  	_ =	strace $0x90000048  }
0xb7: {  	_ =	sfence  }
0xb8: {  	s30 =	sld [smem:$0x0];
	_ =	sdelay $0x2  }
0xb9: {  	s31 =	sshll.u32 s1, $0xD;
	s1 =	sshrl.u32 s1, $0x2  }
0xba: {  	s3 =	sand.u32 $0x4000, s31;
	s1 =	sadd.s32 s1, s30  }
0xbb: {  	s0 =	sor.u32 s3, s0;
	s1 =	sshll.u32 s1, $0x11  }
0xbc: {  	s0 =	sor.u32 s1, s0  }
0xbd: {  	s0 =	sadd.s32 $0x8F2B, s0  }
0xbe: {  	[sflag:s0] =	ssyncadd.remote.s32 $0x1  }
0xbf: {  	_ =	sfence.sel $0xFFFF  }
0xc0: {  	[dreg:$0x0] =	wrdreg $0xFFFFFFFF;
	(pc) =	sbr.abs _section_cstart, $3  }
0xc1: {  	[dreg:$0x1] =	wrdreg $0xFFFFFFFF  }
0xc2: {  	_ =	task.clear_ibuf [dreg:s7], $0x2FFFF;
	_ =	strace $0x9FFFFFFF  }
0xc3: {  	(tm) =	ssettm $0x7FFFFFFF  }
tec
execute0_lowered:
.L_overlay_start_1:
0x0: {  	(tag) =	ssettag $0x1  }
0x1: {  	s0 =	rddreg [dreg:$0x0]  }
0x2: {  	s2 =	rddreg [dreg:$0x2];
	s3 =	simm.s32 $0x0  }
0x3: {  	s1 =	srdreg.scid;
	s9 =	stileid.u32;
	s12 =	simm.s32 $0x2  }
0x4: {  	s15 =	simm.s32 $0x11800;
	s17 =	simm.s32 $0x80;
	s14 =	simm.s32 $0x4000  }
0x5: {  	s11 =	simm.s32 $0x5000;
	s16 =	simm.s32 $0x5800;
	s18 =	simm.s32 $0x11600  }
0x6: {  	s19 =	simm.s32 $0x6000;
	s20 =	simm.s32 $0x11680;
	s21 =	simm.s32 $0x6800  }
0x7: {  	s22 =	simm.s32 $0x11700;
	s23 =	simm.s32 $0x7000;
	s24 =	simm.s32 $0x11780  }
0x8: {  	s26 =	simm.s32 $0x1;
	[smem:$0x7FF] =	sst s3;
	s1 =	sand.u32 $0x1, s1  }
0x9: {  	s5 =	sshll.u32 s9, $0x8;
	s6 =	sshll.u32 s9, $0xC;
	s25 =	sor.u32 $0x8000, s9  }
0xa: {  	s30 =	sshll.u32 s9, $0xF;
	_ =	strace $0x80000047;
	s4 =	ssub.s32 $0x2, s1  }
0xb: {  	s5 =	sadd.s32 s5, s0;
	s0 =	sadd.s32 s6, s0;
	s8 =	sshll.u32 s1, $0x4  }
0xc: {  	s9 =	sadd.s32 s30, s2;
	v0 =	vmov s25;
	s25 =	simm.s32 $0x7800;
	s6 =	sadd.s32 $0x3000, s0  }
0xd: {  	s1 =	simm.s32 $0x0;
	s29 =	sadd.s32 $0x1000, s5;
	[dreg:$0x4] =	wrdreg s6  }
0xe: {  	s7 =	sshrl.u32 s4, $0x1;
	s5 =	sadd.s32 $0x2000, s5;
	[dreg:$0x5] =	wrdreg s29  }
0xf: {  	s10 =	sadd.s32 $0x13000, s0;
	s4 =	ssub.s32 s4, s7;
	[dreg:$0x6] =	wrdreg s5  }
0x10: {  	v2 =	vlaneseq.u32;
	s5 =	simm.s32 $0x11480;
	s6 =	simm.s32 $0x4800;
	s31 =	smax.u32 s4, $0x1  }
0x11: {  	v1 =	vimm.f32 $0.0e+00;
	v2 =	vmul.u32 $0x10, v2;
	s7 =	simm.s32 $0x11500;
	s4 =	simm.s32 $0x11580;
	[dreg:$0x7] =	wrdreg s31  }
.LBB2_1:
0x12: {  	[dreg:$0x8] =	wrdreg s1  }
0x13: {  	s0 =	rddreg [dreg:$0x4]  }
0x14: {  	[tilespmem:s3], [sflag:$0x2] =	stream.linear.gather [hbm4b:s0+s3], $0x8000, $0x38;
	[tilespmem:$0x1D810] =	vst v63  }
0x15: {  	_ =	swait.ge [sflag:s12], $0x8000  }
0x16: {  	[sflag:s12] =	ssyncset.done $0x0  }
0x17: {  	s28 =	simm.s32 $0x10000;
	s13 =	rddreg [dreg:$0x5];
	[sflag:s12] =	ssyncadd.s32 $0xFFFF8000  }
0x18: {  	[tilespmem:s28], [sflag:$0x2] =	stream.linear.gather [hbm4b:s13+s3], $0x800, $0x38;
	[tilespmem:$0x1D810] =	vst v63  }
0x19: {  	_ =	swait.ge [sflag:s12], $0x800  }
0x1a: {  	[sflag:s12] =	ssyncset.done $0x0  }
0x1b: {  	s30 =	simm.s32 $0x10800;
	s29 =	rddreg [dreg:$0x6];
	[sflag:s12] =	ssyncadd.s32 $0xFFFFF800  }
0x1c: {  	[tilespmem:s30], [sflag:$0x2] =	stream.linear.gather [hbm4b:s29+s3], $0x800, $0x38;
	[tilespmem:$0x1D810] =	vst v63  }
0x1d: {  	_ =	swait.ge [sflag:s12], $0x800  }
0x1e: {  	[sflag:s12] =	ssyncset.done $0x0  }
0x1f: {  	[sflag:s12] =	ssyncadd.s32 $0xFFFFF800  }
0x20: {  	s31 =	rddreg [dreg:$0x1]  }
0x21: {  	[tilespmem:s15], [sflag:$0x2] =	stream.linear.gather [hbm4b:s31+s3], $0x4000, $0x38;
	[tilespmem:$0x1D810] =	vst v63  }
0x22: {  	_ =	swait.ge [sflag:s12], $0x4000  }
0x23: {  	[sflag:s12] =	ssyncset.done $0x0  }
0x24: {  	s0 =	simm.s32 $0x0;
	[sflag:s12] =	ssyncadd.s32 $0xFFFFC000  }
.LBB2_2:
0x25: {  	p0 =	sne.s32 s0, $0x1FFC0  }
.Ltmp0:
0x26: {  	_ = 	snop;
	(pc) =	sbr.rel @p0 .LBB2_2-.Ltmp0, $3  }
0x27: {  	_ =	sdelay $0x1  }
0x28: {  	s1 =	sshra.s32 s0, $0x2  }
0x29: {  	s0 =	sadd.s32 $0x40, s0;
	[tilespmem:s1+$0x8000] =	vst v1  }
0x2a: {  	s29 =	simm.s32 $0x10000  }
0x2b: {  	s30 =	simm.s32 $0x10800;
	v3 =	vld [tilespmem:s29+$0x0]  }
0x2c: {  	s28 =	simm.s32 $0x0;
	v4 =	vld [tilespmem:s30+$0x0]  }
0x2d: {  	v5 =	vmov s28  }
0x2e: {  	v5 =	vshll.u32 v5, $0x4  }
0x2f: {  	v6 =	vor.u32 v2, v5  }
0x30: {  	v7 =	vshll.u32 v3, $0x4  }
0x31: {  	v3 =	vshll.u32 v4, $0x4  }
0x32: {  	v4 =	vor.u32 $0xC, v3;
	_ =	sdelay $0x1  }
0x33: {  	v5 =	vld.idx.msk [tilespmem:v6+s28+$0x0], $0xffff  }
0x34: {  	v8 =	vld.idx.msk [tilespmem:v7+s15+$0x0], $0xffff;
	_ =	sdelay $0x1  }
0x35: {  	v4 =	vld.idx.msk [tilespmem:v4+s15+$0x0], $0xffff;
	_ =	sdelay $0x2  }
0x36: {  	v5 =	vadd.f32 v8, v5;
	_ =	sdelay $0x1  }
0x37: {  	v4 =	vadd.f32 v4, v5  }
0x38: {  	v5 =	vor.u32 $0x1, v6  }
0x39: {  	v9 =	vor.u32 $0x1, v7;
	v8 =	vmul.f32 $2.000000030e-01, v4  }
0x3a: {  	vm0 =	vge.f32 v4, $0.0e+00  }
0x3b: {  	v4 =	vsel vm0, v4, v8;
	v8 =	vor.u32 $0xD, v3  }
0x3c: {  	[tilespmem:v6+s28+$0x0] =	vst.idx.msk $0xffff, v4  }
0x3d: {  	v4 =	vld.idx.msk [tilespmem:v5+s28+$0x0], $0xffff  }
0x3e: {  	v9 =	vld.idx.msk [tilespmem:v9+s15+$0x0], $0xffff;
	_ =	sdelay $0x1  }
0x3f: {  	v8 =	vld.idx.msk [tilespmem:v8+s15+$0x0], $0xffff;
	_ =	sdelay $0x2  }
0x40: {  	v4 =	vadd.f32 v9, v4;
	_ =	sdelay $0x1  }
0x41: {  	v4 =	vadd.f32 v8, v4  }
0x42: {  	v8 =	vor.u32 $0x2, v6  }
0x43: {  	v10 =	vor.u32 $0x2, v7;
	v53 =	vmul.f32 $2.000000030e-01, v4  }
0x44: {  	vm6 =	vge.f32 v4, $0.0e+00  }
0x45: {  	v54 =	vor.u32 $0xE, v3;
	v4 =	vsel vm6, v4, v53  }
0x46: {  	[tilespmem:v5+s28+$0x0] =	vst.idx.msk $0xffff, v4  }
0x47: {  	v4 =	vld.idx.msk [tilespmem:v8+s28+$0x0], $0xffff  }
0x48: {  	v5 =	vld.idx.msk [tilespmem:v10+s15+$0x0], $0xffff;
	_ =	sdelay $0x1  }
0x49: {  	v9 =	vld.idx.msk [tilespmem:v54+s15+$0x0], $0xffff;
	_ =	sdelay $0x2  }
0x4a: {  	v4 =	vadd.f32 v5, v4;
	_ =	sdelay $0x1  }
0x4b: {  	v4 =	vadd.f32 v9, v4  }
0x4c: {  	v5 =	vor.u32 $0x3, v6  }
0x4d: {  	v55 =	vor.u32 $0x3, v7;
	v9 =	vmul.f32 $2.000000030e-01, v4  }
0x4e: {  	vm7 =	vge.f32 v4, $0.0e+00  }
0x4f: {  	v3 =	vor.u32 $0xF, v3;
	v4 =	vsel vm7, v4, v9  }
0x50: {  	[tilespmem:v8+s28+$0x0] =	vst.idx.msk $0xffff, v4  }
0x51: {  	v4 =	vld.idx.msk [tilespmem:v5+s28+$0x0], $0xffff  }
0x52: {  	v8 =	vld.idx.msk [tilespmem:v55+s15+$0x0], $0xffff;
	_ =	sdelay $0x1  }
0x53: {  	v3 =	vld.idx.msk [tilespmem:v3+s15+$0x0], $0xffff;
	_ =	sdelay $0x2  }
0x54: {  	v4 =	vadd.f32 v8, v4;
	_ =	sdelay $0x1  }
0x55: {  	v3 =	vadd.f32 v3, v4  }
0x56: {  	v4 =	vor.u32 $0x4, v6  }
0x57: {  	v56 =	vor.u32 $0x4, v7;
	v8 =	vmul.f32 $2.000000030e-01, v3  }
0x58: {  	vm8 =	vge.f32 v3, $0.0e+00  }
0x59: {  	v3 =	vsel vm8, v3, v8  }
0x5a: {  	[tilespmem:v5+s28+$0x0] =	vst.idx.msk $0xffff, v3  }
0x5b: {  	v3 =	vld.idx.msk [tilespmem:v4+s28+$0x0], $0xffff  }
0x5c: {  	v5 =	vld.idx.msk [tilespmem:v56+s15+$0x0], $0xffff;
	_ =	sdelay $0x4  }
0x5d: {  	v3 =	vadd.f32 v5, v3  }
0x5e: {  	v5 =	vor.u32 $0x5, v6  }
0x5f: {  	v57 =	vor.u32 $0x5, v7;
	v8 =	vmul.f32 $2.000000030e-01, v3  }
0x60: {  	vm9 =	vge.f32 v3, $0.0e+00  }
0x61: {  	v3 =	vsel vm9, v3, v8  }
0x62: {  	[tilespmem:v4+s28+$0x0] =	vst.idx.msk $0xffff, v3  }
0x63: {  	v3 =	vld.idx.msk [tilespmem:v5+s28+$0x0], $0xffff  }
0x64: {  	v4 =	vld.idx.msk [tilespmem:v57+s15+$0x0], $0xffff;
	_ =	sdelay $0x4  }
0x65: {  	v3 =	vadd.f32 v4, v3  }
0x66: {  	v4 =	vor.u32 $0x6, v6  }
0x67: {  	v58 =	vor.u32 $0x6, v7;
	v8 =	vmul.f32 $2.000000030e-01, v3  }
0x68: {  	vm10 =	vge.f32 v3, $0.0e+00  }
0x69: {  	v3 =	vsel vm10, v3, v8  }
0x6a: {  	[tilespmem:v5+s28+$0x0] =	vst.idx.msk $0xffff, v3  }
0x6b: {  	v3 =	vld.idx.msk [tilespmem:v4+s28+$0x0], $0xffff  }
0x6c: {  	v5 =	vld.idx.msk [tilespmem:v58+s15+$0x0], $0xffff;
	_ =	sdelay $0x4  }
0x6d: {  	v3 =	vadd.f32 v5, v3  }
0x6e: {  	v5 =	vor.u32 $0x7, v6  }
0x6f: {  	v59 =	vor.u32 $0x7, v7;
	v8 =	vmul.f32 $2.000000030e-01, v3  }
0x70: {  	vm11 =	vge.f32 v3, $0.0e+00  }
0x71: {  	v3 =	vsel vm11, v3, v8  }
0x72: {  	[tilespmem:v4+s28+$0x0] =	vst.idx.msk $0xffff, v3  }
0x73: {  	v3 =	vld.idx.msk [tilespmem:v5+s28+$0x0], $0xffff  }
0x74: {  	v4 =	vld.idx.msk [tilespmem:v59+s15+$0x0], $0xffff;
	_ =	sdelay $0x4  }
0x75: {  	v3 =	vadd.f32 v4, v3  }
0x76: {  	v4 =	vor.u32 $0x8, v6  }
0x77: {  	v60 =	vor.u32 $0x8, v7;
	v8 =	vmul.f32 $2.000000030e-01, v3  }
0x78: {  	vm12 =	vge.f32 v3, $0.0e+00  }
0x79: {  	v3 =	vsel vm12, v3, v8  }
0x7a: {  	[tilespmem:v5+s28+$0x0] =	vst.idx.msk $0xffff, v3  }
0x7b: {  	v3 =	vld.idx.msk [tilespmem:v4+s28+$0x0], $0xffff  }
0x7c: {  	v5 =	vld.idx.msk [tilespmem:v60+s15+$0x0], $0xffff;
	_ =	sdelay $0x4  }
0x7d: {  	v3 =	vadd.f32 v5, v3  }
0x7e: {  	v8 =	vor.u32 $0x9, v6  }
0x7f: {  	v61 =	vor.u32 $0x9, v7;
	v5 =	vmul.f32 $2.000000030e-01, v3  }
0x80: {  	vm13 =	vge.f32 v3, $0.0e+00  }
0x81: {  	v3 =	vsel vm13, v3, v5  }
0x82: {  	[tilespmem:v4+s28+$0x0] =	vst.idx.msk $0xffff, v3  }
0x83: {  	v3 =	vld.idx.msk [tilespmem:v8+s28+$0x0], $0xffff  }
0x84: {  	v4 =	vld.idx.msk [tilespmem:v61+s15+$0x0], $0xffff;
	_ =	sdelay $0x4  }
0x85: {  	v3 =	vadd.f32 v4, v3  }
0x86: {  	v5 =	vor.u32 $0xA, v6  }
0x87: {  	v62 =	vor.u32 $0xA, v7;
	v4 =	vmul.f32 $2.000000030e-01, v3  }
0x88: {  	vm14 =	vge.f32 v3, $0.0e+00  }
0x89: {  	v3 =	vsel vm14, v3, v4  }
0x8a: {  	[tilespmem:v8+s28+$0x0] =	vst.idx.msk $0xffff, v3  }
0x8b: {  	v3 =	vld.idx.msk [tilespmem:v5+s28+$0x0], $0xffff  }
0x8c: {  	v4 =	vld.idx.msk [tilespmem:v62+s15+$0x0], $0xffff;
	_ =	sdelay $0x4  }
0x8d: {  	v8 =	vadd.f32 v4, v3  }
0x8e: {  	v3 =	vor.u32 $0xB, v6  }
0x8f: {  	v4 =	vor.u32 $0xB, v7;
	v63 =	vmul.f32 $2.000000030e-01, v8  }
0x90: {  	vm15 =	vge.f32 v8, $0.0e+00  }
0x91: {  	s31 =	simm.s32 $0x10;
	v6 =	vsel vm15, v8, v63  }
.LBB2_4:
0x92: {  	p0 =	sne.s32 s31, $0x7F0;
	[tilespmem:v5+s28+$0x0] =	vst.idx.msk $0xffff, v6;
	s29 =	sadd.s32 $0x10, s29;
	s30 =	sadd.s32 $0x10, s30  }
0x93: {  	s0 =	smov.u32 s31;
	s31 =	sadd.s32 $0x10, s31;
	v5 =	vld.idx.msk [tilespmem:v3+s28+$0x0], $0xffff  }
0x94: {  	v4 =	vld.idx.msk [tilespmem:v4+s15+$0x0], $0xffff;
	_ =	sdelay $0x5  }
0x95: {  	v4 =	vadd.f32 v4, v5;
	_ =	sdelay $0x1  }
0x96: {  	vm0 =	vge.f32 v4, $0.0e+00;
	v5 =	vmul.f32 $2.000000030e-01, v4;
	_ =	sdelay $0x1  }
0x97: {  	v4 =	vsel vm0, v4, v5  }
0x98: {  	[tilespmem:v3+s28+$0x0] =	vst.idx.msk $0xffff, v4  }
0x99: {  	v4 =	vld [tilespmem:s29+$0x0]  }
0x9a: {  	v5 =	vld [tilespmem:s30+$0x0]  }
0x9b: {  	v3 =	vmov s0  }
0x9c: {  	v3 =	vshll.u32 v3, $0x4  }
0x9d: {  	v3 =	vor.u32 v2, v3  }
0x9e: {  	v4 =	vshll.u32 v4, $0x4  }
0x9f: {  	v5 =	vshll.u32 v5, $0x4  }
0xa0: {  	v6 =	vor.u32 $0xC, v5;
	_ =	sdelay $0x1  }
0xa1: {  	v7 =	vld.idx.msk [tilespmem:v3+s28+$0x0], $0xffff  }
0xa2: {  	v8 =	vld.idx.msk [tilespmem:v4+s15+$0x0], $0xffff;
	_ =	sdelay $0x1  }
0xa3: {  	v6 =	vld.idx.msk [tilespmem:v6+s15+$0x0], $0xffff;
	_ =	sdelay $0x3  }
0xa4: {  	v7 =	vadd.f32 v8, v7;
	_ =	sdelay $0x1  }
0xa5: {  	v6 =	vadd.f32 v6, v7  }
0xa6: {  	v7 =	vor.u32 $0x1, v3  }
0xa7: {  	v9 =	vor.u32 $0x1, v4;
	v8 =	vmul.f32 $2.000000030e-01, v6  }
0xa8: {  	vm0 =	vge.f32 v6, $0.0e+00  }
0xa9: {  	v6 =	vsel vm0, v6, v8;
	v8 =	vor.u32 $0xD, v5  }
0xaa: {  	[tilespmem:v3+s28+$0x0] =	vst.idx.msk $0xffff, v6  }
0xab: {  	v6 =	vld.idx.msk [tilespmem:v7+s28+$0x0], $0xffff  }
0xac: {  	v9 =	vld.idx.msk [tilespmem:v9+s15+$0x0], $0xffff;
	_ =	sdelay $0x1  }
0xad: {  	v8 =	vld.idx.msk [tilespmem:v8+s15+$0x0], $0xffff;
	_ =	sdelay $0x3  }
0xae: {  	v6 =	vadd.f32 v9, v6;
	_ =	sdelay $0x1  }
0xaf: {  	v6 =	vadd.f32 v8, v6  }
0xb0: {  	v8 =	vor.u32 $0x2, v3  }
0xb1: {  	v10 =	vor.u32 $0x2, v4;
	v9 =	vmul.f32 $2.000000030e-01, v6  }
0xb2: {  	vm0 =	vge.f32 v6, $0.0e+00  }
0xb3: {  	v6 =	vsel vm0, v6, v9;
	v9 =	vor.u32 $0xE, v5  }
0xb4: {  	[tilespmem:v7+s28+$0x0] =	vst.idx.msk $0xffff, v6  }
0xb5: {  	v6 =	vld.idx.msk [tilespmem:v8+s28+$0x0], $0xffff  }
0xb6: {  	v7 =	vld.idx.msk [tilespmem:v10+s15+$0x0], $0xffff;
	_ =	sdelay $0x1  }
0xb7: {  	v9 =	vld.idx.msk [tilespmem:v9+s15+$0x0], $0xffff;
	_ =	sdelay $0x3  }
0xb8: {  	v6 =	vadd.f32 v7, v6;
	_ =	sdelay $0x1  }
0xb9: {  	v6 =	vadd.f32 v9, v6  }
0xba: {  	v7 =	vor.u32 $0x3, v3  }
0xbb: {  	v10 =	vor.u32 $0x3, v4;
	v9 =	vmul.f32 $2.000000030e-01, v6  }
0xbc: {  	vm0 =	vge.f32 v6, $0.0e+00  }
0xbd: {  	v5 =	vor.u32 $0xF, v5;
	v6 =	vsel vm0, v6, v9  }
0xbe: {  	[tilespmem:v8+s28+$0x0] =	vst.idx.msk $0xffff, v6  }
0xbf: {  	v6 =	vld.idx.msk [tilespmem:v7+s28+$0x0], $0xffff  }
0xc0: {  	v8 =	vld.idx.msk [tilespmem:v10+s15+$0x0], $0xffff;
	_ =	sdelay $0x1  }
0xc1: {  	v5 =	vld.idx.msk [tilespmem:v5+s15+$0x0], $0xffff;
	_ =	sdelay $0x3  }
0xc2: {  	v6 =	vadd.f32 v8, v6;
	_ =	sdelay $0x1  }
0xc3: {  	v5 =	vadd.f32 v5, v6  }
0xc4: {  	v6 =	vor.u32 $0x4, v3  }
0xc5: {  	v9 =	vor.u32 $0x4, v4;
	v8 =	vmul.f32 $2.000000030e-01, v5  }
0xc6: {  	vm0 =	vge.f32 v5, $0.0e+00  }
0xc7: {  	v5 =	vsel vm0, v5, v8  }
0xc8: {  	[tilespmem:v7+s28+$0x0] =	vst.idx.msk $0xffff, v5  }
0xc9: {  	v5 =	vld.idx.msk [tilespmem:v6+s28+$0x0], $0xffff  }
0xca: {  	v7 =	vld.idx.msk [tilespmem:v9+s15+$0x0], $0xffff;
	_ =	sdelay $0x5  }
0xcb: {  	v5 =	vadd.f32 v7, v5  }
0xcc: {  	v7 =	vor.u32 $0x5, v3  }
0xcd: {  	v9 =	vor.u32 $0x5, v4;
	v8 =	vmul.f32 $2.000000030e-01, v5  }
0xce: {  	vm0 =	vge.f32 v5, $0.0e+00  }
0xcf: {  	v5 =	vsel vm0, v5, v8  }
0xd0: {  	[tilespmem:v6+s28+$0x0] =	vst.idx.msk $0xffff, v5  }
0xd1: {  	v5 =	vld.idx.msk [tilespmem:v7+s28+$0x0], $0xffff  }
0xd2: {  	v6 =	vld.idx.msk [tilespmem:v9+s15+$0x0], $0xffff;
	_ =	sdelay $0x5  }
0xd3: {  	v5 =	vadd.f32 v6, v5  }
0xd4: {  	v6 =	vor.u32 $0x6, v3  }
0xd5: {  	v9 =	vor.u32 $0x6, v4;
	v8 =	vmul.f32 $2.000000030e-01, v5  }
0xd6: {  	vm0 =	vge.f32 v5, $0.0e+00  }
0xd7: {  	v5 =	vsel vm0, v5, v8  }
0xd8: {  	[tilespmem:v7+s28+$0x0] =	vst.idx.msk $0xffff, v5  }
0xd9: {  	v5 =	vld.idx.msk [tilespmem:v6+s28+$0x0], $0xffff  }
0xda: {  	v7 =	vld.idx.msk [tilespmem:v9+s15+$0x0], $0xffff;
	_ =	sdelay $0x5  }
0xdb: {  	v5 =	vadd.f32 v7, v5  }
0xdc: {  	v7 =	vor.u32 $0x7, v3  }
0xdd: {  	v9 =	vor.u32 $0x7, v4;
	v8 =	vmul.f32 $2.000000030e-01, v5  }
0xde: {  	vm0 =	vge.f32 v5, $0.0e+00  }
0xdf: {  	v5 =	vsel vm0, v5, v8  }
0xe0: {  	[tilespmem:v6+s28+$0x0] =	vst.idx.msk $0xffff, v5  }
0xe1: {  	v5 =	vld.idx.msk [tilespmem:v7+s28+$0x0], $0xffff  }
0xe2: {  	v6 =	vld.idx.msk [tilespmem:v9+s15+$0x0], $0xffff;
	_ =	sdelay $0x5  }
0xe3: {  	v5 =	vadd.f32 v6, v5  }
0xe4: {  	v6 =	vor.u32 $0x8, v3  }
0xe5: {  	v9 =	vor.u32 $0x8, v4;
	v8 =	vmul.f32 $2.000000030e-01, v5  }
0xe6: {  	vm0 =	vge.f32 v5, $0.0e+00  }
0xe7: {  	v5 =	vsel vm0, v5, v8  }
0xe8: {  	[tilespmem:v7+s28+$0x0] =	vst.idx.msk $0xffff, v5  }
0xe9: {  	v5 =	vld.idx.msk [tilespmem:v6+s28+$0x0], $0xffff  }
0xea: {  	v7 =	vld.idx.msk [tilespmem:v9+s15+$0x0], $0xffff;
	_ =	sdelay $0x5  }
0xeb: {  	v5 =	vadd.f32 v7, v5  }
0xec: {  	v7 =	vor.u32 $0x9, v3  }
0xed: {  	v9 =	vor.u32 $0x9, v4;
	v8 =	vmul.f32 $2.000000030e-01, v5  }
0xee: {  	vm0 =	vge.f32 v5, $0.0e+00  }
0xef: {  	v5 =	vsel vm0, v5, v8  }
0xf0: {  	[tilespmem:v6+s28+$0x0] =	vst.idx.msk $0xffff, v5  }
0xf1: {  	v5 =	vld.idx.msk [tilespmem:v7+s28+$0x0], $0xffff  }
0xf2: {  	v6 =	vld.idx.msk [tilespmem:v9+s15+$0x0], $0xffff;
	_ =	sdelay $0x5  }
0xf3: {  	v6 =	vadd.f32 v6, v5  }
0xf4: {  	v5 =	vor.u32 $0xA, v3  }
0xf5: {  	v9 =	vor.u32 $0xA, v4;
	v8 =	vmul.f32 $2.000000030e-01, v6  }
0xf6: {  	vm0 =	vge.f32 v6, $0.0e+00  }
0xf7: {  	v6 =	vsel vm0, v6, v8  }
0xf8: {  	[tilespmem:v7+s28+$0x0] =	vst.idx.msk $0xffff, v6  }
0xf9: {  	v6 =	vld.idx.msk [tilespmem:v5+s28+$0x0], $0xffff  }
0xfa: {  	v7 =	vld.idx.msk [tilespmem:v9+s15+$0x0], $0xffff;
	_ =	sdelay $0x5  }
.Ltmp1:
0xfb: {  	v6 =	vadd.f32 v7, v6;
	(pc) =	sbr.rel @p0 .LBB2_4-.Ltmp1, $4  }
0xfc: {  	v4 =	vor.u32 $0xB, v4;
	v3 =	vor.u32 $0xB, v3  }
0xfd: {  	v7 =	vmul.f32 $2.000000030e-01, v6  }
0xfe: {  	vm0 =	vge.f32 v6, $0.0e+00  }
0xff: {  	v6 =	vsel vm0, v6, v7  }
0x100: {  	_ =	sdelay $0x3  }
0x101: {  	[tilespmem:v5+s28+$0x0] =	vst.idx.msk $0xffff, v6  }
0x102: {  	v5 =	vld.idx.msk [tilespmem:v3+s28+$0x0], $0xffff  }
0x103: {  	v4 =	vld.idx.msk [tilespmem:v4+s15+$0x0], $0xffff;
	_ =	sdelay $0x4  }
0x104: {  	v4 =	vadd.f32 v4, v5;
	_ =	sdelay $0x1  }
0x105: {  	v5 =	vmul.f32 $2.000000030e-01, v4  }
0x106: {  	vm0 =	vge.f32 v4, $0.0e+00  }
0x107: {  	v4 =	vsel vm0, v4, v5  }
0x108: {  	[tilespmem:v3+s28+$0x0] =	vst.idx.msk $0xffff, v4  }
.LBB2_6:
0x109: {  	s0 =	simm.s32 $0x8000  }
0x10a: {  	[spmem:s9] =	stream.linear.scatter [tilespmem:s0], [sflag:$0x2], $0x8000, $0x38;
	[tilespmem:$0x1D810] =	vst v63  }
0x10b: {  	_ =	swait.ge [sflag:s12], $0x8000  }
0x10c: {  	[sflag:s12] =	ssyncset.done $0x0  }
0x10d: {  	[sflag:s12] =	ssyncadd.s32 $0xFFFF8000  }
0x10e: {  	s1 =	simm.s32 $0x10000;
	[bflag:$0x0] =	sbarrier.arrive $0xFFFF  }
0x10f: {  	v4 =	vld [tilespmem:s1+$0x0]  }
0x110: {  	s30 =	simm.s32 $0x10800  }
0x111: {  	v5 =	vld [tilespmem:s30+$0x0];
	_ =	sdelay $0x2  }
0x112: {  	s29 =	sadd.s32 s8, s28;
	v6 =	vshll.u32 v4, $0xA  }
0x113: {  	v3 =	vmov s29;
	v4 =	vshra.s32 v4, $0x5;
	v6 =	vand.u32 $0x7C00, v6  }
0x114: {  	s13 =	simm.s32 $0x0;
	vm0 =	veq.s32 v4, v3;
	v4 =	vor.u32 v5, v6  }
0x115: {  	s0 =	sand.u32 $0x7F0, s13;
	v4 =	vsel vm0, v4, v0  }
0x116: {  	[tilespmem:s0+$0x11000] =	vst v4;
	s0 =	simm.s32 $0x10010  }
0x117: {  	s31 =	simm.s32 $0x10;
	s1 =	simm.s32 $0x20;
	v4 =	vld [tilespmem:s0+$0x0]  }
.LBB2_7:
0x118: {  	p0 =	sne.s32 s1, $0x7F0;
	s30 =	sadd.s32 $0x10, s30  }
0x119: {  	v5 =	vld [tilespmem:s30+$0x0];
	_ =	sdelay $0x2  }
0x11a: {  	v6 =	vshll.u32 v4, $0xA  }
.Ltmp2:
0x11b: {  	v4 =	vshra.s32 v4, $0x5;
	v6 =	vand.u32 $0x7C00, v6;
	(pc) =	sbr.rel @p0 .LBB2_7-.Ltmp2, $4  }
0x11c: {  	vm0 =	veq.s32 v4, v3;
	v4 =	vor.u32 v5, v6  }
0x11d: {  	s13 =	sand.u32 $0x7F0, s31;
	s31 =	smov.u32 s1;
	v4 =	vsel vm0, v4, v0  }
0x11e: {  	s0 =	sadd.s32 $0x10, s0;
	[tilespmem:s13+$0x11000] =	vst v4  }
0x11f: {  	s1 =	sadd.s32 $0x10, s1;
	v4 =	vld [tilespmem:s0+$0x0]  }
0x120: {  	s0 =	sadd.s32 $0x10, s30  }
0x121: {  	v5 =	vld [tilespmem:s0+$0x0];
	_ =	sdelay $0x2  }
0x122: {  	v6 =	vshll.u32 v4, $0xA  }
0x123: {  	v63 =	vshra.s32 v4, $0x5;
	v6 =	vand.u32 $0x7C00, v6  }
0x124: {  	vm0 =	veq.s32 v63, v3;
	v3 =	vor.u32 v5, v6  }
0x125: {  	s13 =	sand.u32 $0x7F0, s31;
	v3 =	vsel vm0, v3, v0  }
0x126: {  	s30 =	simm.s32 $0x11000;
	[tilespmem:s13+$0x11000] =	vst v3  }
0x127: {  	[spmem:s2] =	stream.indirect.scatter.add.f32 [tilespmem:s3], [sflag:$0x1], $0x10, s30, s17, $0xb8;
	[tilespmem:$0x1D810] =	vst v63  }
0x128: {  	s31 =	simm.s32 $0x11080;
	s1 =	simm.s32 $0x800  }
0x129: {  	[spmem:s2] =	stream.indirect.scatter.add.f32 [tilespmem:s1], [sflag:$0x1], $0x10, s31, s17, $0xb8;
	[tilespmem:$0x1D810] =	vst v63  }
0x12a: {  	s13 =	simm.s32 $0x1000;
	s1 =	simm.s32 $0x11100  }
0x12b: {  	[spmem:s2] =	stream.indirect.scatter.add.f32 [tilespmem:s13], [sflag:$0x1], $0x10, s1, s17, $0xb8;
	[tilespmem:$0x1D810] =	vst v63  }
0x12c: {  	s30 =	simm.s32 $0x11180;
	s31 =	simm.s32 $0x1800  }
0x12d: {  	[spmem:s2] =	stream.indirect.scatter.add.f32 [tilespmem:s31], [sflag:$0x1], $0x10, s30, s17, $0xb8;
	[tilespmem:$0x1D810] =	vst v63  }
0x12e: {  	s1 =	simm.s32 $0x11200;
	s13 =	simm.s32 $0x2000  }
0x12f: {  	[spmem:s2] =	stream.indirect.scatter.add.f32 [tilespmem:s13], [sflag:$0x1], $0x10, s1, s17, $0xb8;
	[tilespmem:$0x1D810] =	vst v63  }
0x130: {  	s30 =	simm.s32 $0x11280;
	s31 =	simm.s32 $0x2800  }
0x131: {  	[spmem:s2] =	stream.indirect.scatter.add.f32 [tilespmem:s31], [sflag:$0x1], $0x10, s30, s17, $0xb8;
	[tilespmem:$0x1D810] =	vst v63  }
0x132: {  	s1 =	simm.s32 $0x11300;
	s13 =	simm.s32 $0x3000  }
0x133: {  	[spmem:s2] =	stream.indirect.scatter.add.f32 [tilespmem:s13], [sflag:$0x1], $0x10, s1, s17, $0xb8;
	[tilespmem:$0x1D810] =	vst v63  }
0x134: {  	s30 =	simm.s32 $0x11380;
	s31 =	simm.s32 $0x3800  }
0x135: {  	[spmem:s2] =	stream.indirect.scatter.add.f32 [tilespmem:s31], [sflag:$0x1], $0x10, s30, s17, $0xb8;
	[tilespmem:$0x1D810] =	vst v63  }
0x136: {  	s13 =	simm.s32 $0x11400  }
0x137: {  	[spmem:s2] =	stream.indirect.scatter.add.f32 [tilespmem:s14], [sflag:$0x1], $0x10, s13, s17, $0xb8;
	[tilespmem:$0x1D810] =	vst v63  }
0x138: {  	_ = 	snop  }
0x139: {  	[spmem:s2] =	stream.indirect.scatter.add.f32 [tilespmem:s6], [sflag:$0x1], $0x10, s5, s17, $0xb8;
	[tilespmem:$0x1D810] =	vst v63  }
0x13a: {  	_ = 	snop  }
0x13b: {  	[spmem:s2] =	stream.indirect.scatter.add.f32 [tilespmem:s11], [sflag:$0x1], $0x10, s7, s17, $0xb8;
	[tilespmem:$0x1D810] =	vst v63  }
0x13c: {  	_ = 	snop  }
0x13d: {  	[spmem:s2] =	stream.indirect.scatter.add.f32 [tilespmem:s16], [sflag:$0x1], $0x10, s4, s17, $0xb8;
	[tilespmem:$0x1D810] =	vst v63  }
0x13e: {  	_ = 	snop  }
0x13f: {  	[spmem:s2] =	stream.indirect.scatter.add.f32 [tilespmem:s19], [sflag:$0x1], $0x10, s18, s17, $0xb8;
	[tilespmem:$0x1D810] =	vst v63  }
0x140: {  	_ = 	snop  }
0x141: {  	[spmem:s2] =	stream.indirect.scatter.add.f32 [tilespmem:s21], [sflag:$0x1], $0x10, s20, s17, $0xb8;
	[tilespmem:$0x1D810] =	vst v63  }
0x142: {  	_ = 	snop  }
0x143: {  	[spmem:s2] =	stream.indirect.scatter.add.f32 [tilespmem:s23], [sflag:$0x1], $0x10, s22, s17, $0xb8;
	[tilespmem:$0x1D810] =	vst v63  }
0x144: {  	_ = 	snop  }
0x145: {  	[spmem:s2] =	stream.indirect.scatter.add.f32 [tilespmem:s25], [sflag:$0x1], $0x10, s24, s17, $0xb8;
	[tilespmem:$0x1D810] =	vst v63  }
0x146: {  	_ =	swait.ge [sflag:s26], $0x800  }
0x147: {  	[sflag:s26] =	ssyncset.done $0x0  }
0x148: {  	[sflag:s26] =	ssyncadd.s32 $0xFFFFF800  }
0x149: {  	_ =	swait.ge [sflag:s26], $0x800  }
0x14a: {  	[sflag:s26] =	ssyncset.done $0x0  }
0x14b: {  	[sflag:s26] =	ssyncadd.s32 $0xFFFFF800  }
0x14c: {  	_ =	swait.ge [sflag:s26], $0x800  }
0x14d: {  	[sflag:s26] =	ssyncset.done $0x0  }
0x14e: {  	[sflag:s26] =	ssyncadd.s32 $0xFFFFF800  }
0x14f: {  	_ =	swait.ge [sflag:s26], $0x800  }
0x150: {  	[sflag:s26] =	ssyncset.done $0x0  }
0x151: {  	[sflag:s26] =	ssyncadd.s32 $0xFFFFF800  }
0x152: {  	_ =	swait.ge [sflag:s26], $0x800  }
0x153: {  	[sflag:s26] =	ssyncset.done $0x0  }
0x154: {  	[sflag:s26] =	ssyncadd.s32 $0xFFFFF800  }
0x155: {  	_ =	swait.ge [sflag:s26], $0x800  }
0x156: {  	[sflag:s26] =	ssyncset.done $0x0  }
0x157: {  	[sflag:s26] =	ssyncadd.s32 $0xFFFFF800  }
0x158: {  	_ =	swait.ge [sflag:s26], $0x800  }
0x159: {  	[sflag:s26] =	ssyncset.done $0x0  }
0x15a: {  	[sflag:s26] =	ssyncadd.s32 $0xFFFFF800  }
0x15b: {  	_ =	swait.ge [sflag:s26], $0x800  }
0x15c: {  	[sflag:s26] =	ssyncset.done $0x0  }
0x15d: {  	[sflag:s26] =	ssyncadd.s32 $0xFFFFF800  }
0x15e: {  	_ =	swait.ge [sflag:s26], $0x800  }
0x15f: {  	[sflag:s26] =	ssyncset.done $0x0  }
0x160: {  	[sflag:s26] =	ssyncadd.s32 $0xFFFFF800  }
0x161: {  	_ =	swait.ge [sflag:s26], $0x800  }
0x162: {  	[sflag:s26] =	ssyncset.done $0x0  }
0x163: {  	[sflag:s26] =	ssyncadd.s32 $0xFFFFF800  }
0x164: {  	_ =	swait.ge [sflag:s26], $0x800  }
0x165: {  	[sflag:s26] =	ssyncset.done $0x0  }
0x166: {  	[sflag:s26] =	ssyncadd.s32 $0xFFFFF800  }
0x167: {  	_ =	swait.ge [sflag:s26], $0x800  }
0x168: {  	[sflag:s26] =	ssyncset.done $0x0  }
0x169: {  	[sflag:s26] =	ssyncadd.s32 $0xFFFFF800  }
0x16a: {  	_ =	swait.ge [sflag:s26], $0x800  }
0x16b: {  	[sflag:s26] =	ssyncset.done $0x0  }
0x16c: {  	[sflag:s26] =	ssyncadd.s32 $0xFFFFF800  }
0x16d: {  	_ =	swait.ge [sflag:s26], $0x800  }
0x16e: {  	[sflag:s26] =	ssyncset.done $0x0  }
0x16f: {  	[sflag:s26] =	ssyncadd.s32 $0xFFFFF800  }
0x170: {  	_ =	swait.ge [sflag:s26], $0x800  }
0x171: {  	[sflag:s26] =	ssyncset.done $0x0  }
0x172: {  	s28 =	sadd.s32 $0x1, s28;
	[sflag:s26] =	ssyncadd.s32 $0xFFFFF800  }
0x173: {  	p0 =	sne.s32 s28, $0x10;
	_ =	swait.ge [sflag:s26], $0x800  }
0x174: {  	s30 =	sshll.u32 s29, $0x10;
	s31 =	stileid.u32;
	[sflag:s26] =	ssyncset.done $0x0  }
0x175: {  	s1 =	sshll.u32 s31, $0x6;
	s0 =	sadd.s32 s30, s10;
	[sflag:s26] =	ssyncadd.s32 $0xFFFFF800  }
0x176: {  	s1 =	sor.u32 $0x1C02, s1;
	s13 =	sshrl.u32 s9, $0x3;
	[bflag:$0x0] =	sbarrier.arrive $0xFFFF  }
0x177: {  	[hbm:s0], [sflag:s1] =	dma.local [spmem:s13], $0x1000  }
.Ltmp3:
0x178: {  	_ =	swait.ge [sflag:s12], $0x1000;
	(pc) =	sbr.rel @p0 .LBB2_6-.Ltmp3, $3  }
0x179: {  	[sflag:s12] =	ssyncset.done $0x0  }
0x17a: {  	[sflag:s12] =	ssyncadd.s32 $0xFFFFF000  }
0x17b: {  	[bflag:$0x0] =	sbarrier.arrive $0xFFFF;
	_ =	sdelay $0x1  }
0x17c: {  	s1 =	rddreg [dreg:$0x8]  }
0x17d: {  	s0 =	rddreg [dreg:$0x7];
	s1 =	sadd.s32 $0x1, s1  }
0x17e: {  	p0 =	sne.s32 s1, s0  }
.Ltmp4:
0x17f: {  	_ = 	snop;
	(pc) =	sbr.rel @p0 .LBB2_1-.Ltmp4, $1  }
0x180: {  	_ =	sdelay $0x3  }
0x181: {  	_ =	sfence.sel $0x180000  }
0x182: {  	[bflag:$0x0] =	sbarrier.arrive $0xFFFF  }
0x183: {  	_ =	strace $0x90000047  }
0x184: {  	s0 =	stileid.u32;
	[bflag:$0x2] =	sbarrier.arrive $0xFFFF  }
0x185: {  	p0 =	sne.s32 s0, $0x0;
	s0 =	rddreg [dreg:$0x3]  }
0x186: {  	s0 =	sadd.s32 @!p0 $0x100000, s0  }
0x187: {  	[sflag:s0] =	ssyncadd.tile.s32 @!p0 $0x1;
	_ =	shalt  }
.Lfunc_end2:
_tile_overlayer_lowered:
.L_overlay_start_2:
0x188: {  	(tag) =	ssettag $0x2  }
0x189: {  	s0 =	rddreg [dreg:$0x0];
	s2 =	stileid.u32  }
0x18a: {  	s1 =	rddreg [dreg:$0x1];
	p0 =	sne.s32 s2, $0x0  }
0x18b: {  	s3 =	rddreg [dreg:$0x2];
	[bflag:$0x3] =	sbarrier.arrive $0xFFFF;
	s2 =	simm.s32 @!p0 $0x1C02  }
0x18c: {  	[timem:s3], [sflag:s2] =	dma.local @!p0 [hbm:s0], s1  }
0x18d: {  	s0 =	simm.s32 @!p0 $0x2  }
0x18e: {  	_ =	swait.ge @!p0 [sflag:s0], s1  }
0x18f: {  	s1 =	ssub.s32 @!p0 $0x0, s1;
	[sflag:s0] =	ssyncset.done @!p0 $0x0  }
0x190: {  	[sflag:s0] =	ssyncadd.s32 @!p0 s1  }
0x191: {  	[bflag:$0x3] =	sbarrier.arrive $0xFFFF  }
0x192: {  	_ =	shalt  }

</sc_bundles>
